<compile_context>
chip_gen: v7x
topology: tpu7x:2x2x1
jax: 0.10.2.dev20260603
libtpu: 0.0.44.dev20260713+nightly
codegen_flags: <defaults>
</compile_context>

<pallas_src>
import functools

import jax
import jax.numpy as jnp
from jax import lax
from jax.experimental import pallas as pl
from jax.experimental.pallas import tpu as pltpu
from jax.experimental.pallas import tpu_sc as plsc

B = 16384
E = 64
H = 64
_W = 2 * E
_RBLK = 2048
_NRB = 245
_POFF = _RBLK * _NRB
_TAIL0 = 999424
_NTAIL = 576

_NC = 2
_NS = 16
_NW = _NC * _NS
_ROWS_PER_W = B // _NW
_CHUNK = 128
_NCHUNK = _ROWS_PER_W // _CHUNK

_TC_BLK = 1024


def _sc_gather_body(table, *args):
    n = len(args) // 2 - 1
    idxs, outs, (idx_v, rows_v, sem) = args[:n], args[n:2 * n], args[2 * n:]
    wid = lax.axis_index("s") * _NC + lax.axis_index("c")
    base = wid * _ROWS_PER_W
    for idx_hbm, out_hbm in zip(idxs, outs):
        pltpu.sync_copy(idx_hbm.at[wid], idx_v)
        handles = []
        for ci in range(_NCHUNK):
            handles.append(pltpu.async_copy(
                table.at[idx_v.at[ci]],
                rows_v.at[pl.ds(ci * _CHUNK, _CHUNK)],
                sem))
        for h in handles:
            h.wait()
        pltpu.sync_copy(rows_v, out_hbm.at[pl.ds(base, _ROWS_PER_W)])


@functools.lru_cache(maxsize=2)
def _get_sc_gather(n, name):
    return pl.kernel(
        _sc_gather_body,
        out_type=[jax.ShapeDtypeStruct((B, _W), jnp.float32)] * n,
        name=name,
        mesh=plsc.VectorSubcoreMesh(core_axis_name="c", subcore_axis_name="s"),
        scratch_types=[
            pltpu.VMEM((_NCHUNK, _CHUNK), jnp.int32),
            pltpu.VMEM((_ROWS_PER_W, _W), jnp.float32),
            pltpu.SemaphoreType.DMA,
        ],
    )


def _repack_body(lo_ref, hi_ref, out_ref):
    out_ref[...] = jnp.concatenate([lo_ref[...].T, hi_ref[...].T], axis=1)


def _repack(tableT):
    return pl.pallas_call(
        _repack_body,
        grid=(_NRB,),
        in_specs=[pl.BlockSpec((E, _RBLK), lambda i: (0, i)),
                  pl.BlockSpec((E, _RBLK),
                               lambda i: (0, jnp.where(i < 243, i + 245, 0)))],
        out_specs=pl.BlockSpec((_RBLK, _W), lambda i: (i, 0)),
        out_shape=jax.ShapeDtypeStruct((_POFF, _W), jnp.float32),
        compiler_params=pltpu.CompilerParams(
            dimension_semantics=("arbitrary",)),
    )(tableT, tableT)


def _tc_body(gl_ref, gr_ref, gu_ref, g0_ref, g1_ref, g2_ref,
             sl_ref, sr_ref, su_ref, s0_ref, s1_ref, s2_ref,
             tl_ref, tr_ref, tu_ref, t0_ref, t1_ref, t2_ref,
             ti_ref, tu2_ref,
             wn_ref, bn_ref, wu_ref, bu_ref, wc_ref, bc_ref,
             w1_ref, b1_ref, wo_ref, scal_ref, out_ref):
    relu = lambda x: jnp.maximum(x, 0.0)
    mm = lambda a, w: jax.lax.dot_general(
        a, w, (((1,), (0,)), ((), ())), preferred_element_type=jnp.float32)

    def pick(ref, side_ref, toff_ref, ttab_ref):
        x = ref[...]
        base = jnp.where(side_ref[...] > 0.5, x[:, E:], x[:, :E])
        toff = toff_ref[...]
        iota = jax.lax.broadcasted_iota(jnp.int32, (x.shape[0], _NTAIL), 1)
        onehot = jnp.where(iota == toff, 1.0, 0.0)
        tail = mm(onehot, ttab_ref[...])
        return jnp.where(toff >= 0, tail, base)

    d0 = scal_ref[0]
    d1 = scal_ref[1]
    d2 = scal_ref[2]
    bo = scal_ref[3]
    wn = wn_ref[...]
    bn = bn_ref[...]
    wc = wc_ref[...]
    bc = bc_ref[...]
    left = mm(relu(pick(gl_ref, sl_ref, tl_ref, ti_ref)), wn) + bn
    right = mm(relu(pick(gr_ref, sr_ref, tr_ref, ti_ref)), wn) + bn
    user = mm(relu(pick(gu_ref, su_ref, tu_ref, tu2_ref)), wu_ref[...]) + bu_ref[...]
    casc = mm(relu(pick(g2_ref, s2_ref, t2_ref, ti_ref) + d0), wc) + bc
    casc = mm(relu(casc + pick(g1_ref, s1_ref, t1_ref, ti_ref) + d1), wc) + bc
    casc = mm(relu(casc + pick(g0_ref, s0_ref, t0_ref, ti_ref) + d2), wc) + bc
    common = user + casc
    w1 = w1_ref[...]
    b1 = b1_ref[...]
    wo = wo_ref[...]

    def half(x):
        h = relu(mm(relu(x), w1) + b1)
        z = jnp.sum(h * wo, axis=1, keepdims=True) + bo
        return jax.nn.sigmoid(z)

    out_ref[...] = half(left + common) - half(right + common)


def _tc_forward(gs, sides, toffs, ti, tu2,
                wn, bn, wu, bu, wc, bc, w1, b1, wo, scal):
    row_spec = pl.BlockSpec((_TC_BLK, _W), lambda i: (i, 0))
    side_spec = pl.BlockSpec((_TC_BLK, 1), lambda i: (i, 0))
    tail_spec = pl.BlockSpec((_NTAIL, E), lambda i: (0, 0))
    w_spec = pl.BlockSpec((E, H), lambda i: (0, 0))
    b_spec = pl.BlockSpec((1, H), lambda i: (0, 0))
    return pl.pallas_call(
        _tc_body,
        grid=(B // _TC_BLK,),
        in_specs=[row_spec] * 6 + [side_spec] * 6 + [side_spec] * 6 +
                 [tail_spec] * 2 +
                 [w_spec, b_spec, w_spec, b_spec, w_spec, b_spec,
                  w_spec, b_spec, b_spec,
                  pl.BlockSpec(memory_space=pltpu.SMEM)],
        out_specs=pl.BlockSpec((_TC_BLK, 1), lambda i: (i, 0)),
        out_shape=jax.ShapeDtypeStruct((B, 1), jnp.float32),
        compiler_params=pltpu.CompilerParams(
            dimension_semantics=("parallel",)),
    )(*gs, *sides, *toffs, ti, tu2, wn, bn, wu, bu, wc, bc, w1, b1, wo, scal)


def _prep_idx(x):
    x = x.astype(jnp.int32)
    line = jnp.where(x < _POFF, x, x - _POFF).reshape(_NW, _NCHUNK, _CHUNK)
    side = (x >= _POFF).astype(jnp.float32).reshape(B, 1)
    toff = (x - _TAIL0).reshape(B, 1)
    return line, side, toff


def kernel(users, left_items, right_items, prev_item_0, prev_item_1,
           prev_item_2, item_emb, user_emb, W_user, b_user, W_next, b_next,
           W_casc, b_casc, d0, d1, d2, W1, b1, Wo, bo):
    li, sl, tl = _prep_idx(left_items)
    ri, sr, tr = _prep_idx(right_items)
    p0, s0, t0 = _prep_idx(prev_item_0)
    p1, s1, t1 = _prep_idx(prev_item_1)
    p2, s2, t2 = _prep_idx(prev_item_2)
    us, su, tu = _prep_idx(users)
    item2 = _repack(item_emb.T)
    user2 = _repack(user_emb.T)
    ti = jax.lax.slice(item_emb, (_TAIL0, 0), (_TAIL0 + _NTAIL, E))
    tu2 = jax.lax.slice(user_emb, (_TAIL0, 0), (_TAIL0 + _NTAIL, E))
    gl, gr, g0, g1, g2 = _get_sc_gather(5, "sc_item_gather")(
        item2, li, ri, p0, p1, p2)
    (gu,) = _get_sc_gather(1, "sc_user_gather")(user2, us)
    gs = (gl, gr, gu, g0, g1, g2)
    scal = jnp.concatenate([d0, d1, d2, bo]).astype(jnp.float32)
    return _tc_forward(
        gs, (sl, sr, su, s0, s1, s2), (tl, tr, tu, t0, t1, t2), ti, tu2,
        W_next, b_next.reshape(1, H),
        W_user, b_user.reshape(1, H),
        W_casc, b_casc.reshape(1, H),
        W1, b1.reshape(1, H),
        Wo.reshape(1, H), scal)

# --- scband reference (transcript-rebuilt; emitter-appended) ---
"""Pipeline reference for scband-siamese-rec-net-85504208928975 (READ-ONLY COPY).

The authoritative reference and input builder live on the scoring server;
editing this copy changes nothing except your own understanding.
"""

import jax, jax.numpy as jnp
import numpy as np

B = 16384
NUM_USERS = 1000000
NUM_ITEMS = 1000000
E = 64
H = 64


def setup_inputs(seed: int = 0) -> dict:
    key = jax.random.key(seed)
    ks = jax.random.split(key, 20)
    users = jax.random.randint(ks[0], (B,), 0, NUM_USERS)
    left_items = jax.random.randint(ks[1], (B,), 0, NUM_ITEMS)
    right_items = jax.random.randint(ks[2], (B,), 0, NUM_ITEMS)
    prev_item_0 = jax.random.randint(ks[3], (B,), 0, NUM_ITEMS)
    prev_item_1 = jax.random.randint(ks[4], (B,), 0, NUM_ITEMS)
    prev_item_2 = jax.random.randint(ks[5], (B,), 0, NUM_ITEMS)
    item_emb = jax.random.normal(ks[6], (NUM_ITEMS + 1, E), dtype=jnp.float32) * 0.05
    user_emb = jax.random.normal(ks[7], (NUM_USERS, E), dtype=jnp.float32) * 0.05
    W_user = jax.random.normal(ks[8], (E, H), dtype=jnp.float32) * 0.05
    b_user = jnp.zeros((H,), dtype=jnp.float32)
    W_next = jax.random.normal(ks[9], (E, H), dtype=jnp.float32) * 0.05
    b_next = jnp.zeros((H,), dtype=jnp.float32)
    W_casc = jax.random.normal(ks[10], (E, H), dtype=jnp.float32) * 0.05
    b_casc = jnp.zeros((H,), dtype=jnp.float32)
    d0 = jnp.zeros((1,), dtype=jnp.float32)
    d1 = jnp.zeros((1,), dtype=jnp.float32)
    d2 = jnp.zeros((1,), dtype=jnp.float32)
    W1 = jax.random.normal(ks[11], (H, H), dtype=jnp.float32) * 0.05
    b1 = jnp.zeros((H,), dtype=jnp.float32)
    Wo = jax.random.normal(ks[12], (H, 1), dtype=jnp.float32) * 0.05
    bo = jnp.zeros((1,), dtype=jnp.float32)
    return {
        "users": users, "left_items": left_items, "right_items": right_items,
        "prev_item_0": prev_item_0, "prev_item_1": prev_item_1, "prev_item_2": prev_item_2,
        "item_emb": item_emb, "user_emb": user_emb,
        "W_user": W_user, "b_user": b_user,
        "W_next": W_next, "b_next": b_next,
        "W_casc": W_casc, "b_casc": b_casc,
        "d0": d0, "d1": d1, "d2": d2,
        "W1": W1, "b1": b1, "Wo": Wo, "bo": bo,
    }


def reference(users, left_items, right_items, prev_item_0, prev_item_1, prev_item_2,
              item_emb, user_emb, W_user, b_user, W_next, b_next, W_casc, b_casc,
              d0, d1, d2, W1, b1, Wo, bo):
    relu = jax.nn.relu
    # dropout_prob = 0 -> dropout is identity
    left_e = relu(jnp.take(item_emb, left_items, axis=0)) @ W_next + b_next
    right_e = relu(jnp.take(item_emb, right_items, axis=0)) @ W_next + b_next
    user_e = relu(jnp.take(user_emb, users, axis=0)) @ W_user + b_user
    left_e = left_e + user_e
    right_e = right_e + user_e
    # cascade over previous items, reversed order: prev_item_2 first
    casc = relu(d0 + jnp.take(item_emb, prev_item_2, axis=0)) @ W_casc + b_casc
    casc = relu(casc + d1 + jnp.take(item_emb, prev_item_1, axis=0)) @ W_casc + b_casc
    casc = relu(casc + d2 + jnp.take(item_emb, prev_item_0, axis=0)) @ W_casc + b_casc
    left_e = left_e + casc
    right_e = right_e + casc

    def siamese_half(x):
        h = relu(x)            # layer 0: activation only
        h = relu(h @ W1 + b1)  # layer 1: linear + activation
        return jax.nn.sigmoid(h @ Wo + bo)

    return siamese_half(left_e) - siamese_half(right_e)

if __name__ == "__main__":
    import jax
    _d = setup_inputs()
    print(jax.jit(kernel)(*tuple(_d.values())))

</pallas_src>

<mosaic_0001>
#map = affine_map<(d0, d1) -> (0, 0)>
#map1 = affine_map<(d0, d1) -> (0, 0, 0)>
module attributes {stable_mosaic.version = 14 : i64} {
  func.func @sc_item_gather(%arg0: i32, %arg1: i32, %arg2: memref<501760x128xf32, #tpu.memory_space<hbm>>, %arg3: memref<32x4x128xi32, #tpu.memory_space<hbm>>, %arg4: memref<32x4x128xi32, #tpu.memory_space<hbm>>, %arg5: memref<32x4x128xi32, #tpu.memory_space<hbm>>, %arg6: memref<32x4x128xi32, #tpu.memory_space<hbm>>, %arg7: memref<32x4x128xi32, #tpu.memory_space<hbm>>, %arg8: memref<16384x128xf32, #tpu.memory_space<hbm>>, %arg9: memref<16384x128xf32, #tpu.memory_space<hbm>>, %arg10: memref<16384x128xf32, #tpu.memory_space<hbm>>, %arg11: memref<16384x128xf32, #tpu.memory_space<hbm>>, %arg12: memref<16384x128xf32, #tpu.memory_space<hbm>>, %arg13: memref<4x128xi32, #tpu.memory_space<vmem>>, %arg14: memref<512x128xf32, #tpu.memory_space<vmem>>, %arg15: memref<!tpu.dma_semaphore, #tpu.memory_space<semaphore_mem>>) attributes {dimension_semantics = [#tpu.dimension_semantics<core_parallel>, #tpu.dimension_semantics<subcore_parallel>], iteration_bounds = array<i64: 2, 16>, scalar_prefetch = 0 : i64, scratch_operands = 3 : i64, tpu.core_type = #tpu.core_type<sc_vector_subcore>, window_params = [{transform_indices = #map}, {transform_indices = #map1}, {transform_indices = #map1}, {transform_indices = #map1}, {transform_indices = #map1}, {transform_indices = #map1}, {transform_indices = #map}, {transform_indices = #map}, {transform_indices = #map}, {transform_indices = #map}, {transform_indices = #map}]} {
    %mul3A = arith.constant 2 : i32
    %mul3A_0 = arith.muli %arg1, %mul3A : i32
    %add3A = arith.addi %mul3A_0, %arg0 : i32
    %mul3A_1 = arith.constant 512 : i32
    %mul3A_2 = arith.muli %add3A, %mul3A_1 : i32
    "tpu.region"() ({
      %run_scoped3A = tpu.sem_alloc : memref<!tpu.dma_semaphore, #tpu.memory_space<semaphore_mem>>
      %dma_start3A_401 = arith.constant 0 : i32
      %dma_start3A_402 = arith.constant 0 : i32
      %dma_start3A_403 = tpu.memref_slice %arg3[%add3A, %dma_start3A_401, %dma_start3A_402] : memref<32x4x128xi32, #tpu.memory_space<hbm>> -> memref<1x4x128xi32, #tpu.memory_space<hbm>>
      %dma_start3A_404 = tpu.memref_squeeze %dma_start3A_403 : memref<1x4x128xi32, #tpu.memory_space<hbm>> -> memref<4x128xi32, #tpu.memory_space<hbm>>
      %dma_start3A_405 = arith.constant 0 : i32
      %dma_start3A_406 = arith.constant 0 : i32
      %dma_start3A_407 = tpu.memref_slice %arg3[%add3A, %dma_start3A_405, %dma_start3A_406] : memref<32x4x128xi32, #tpu.memory_space<hbm>> -> memref<1x4x128xi32, #tpu.memory_space<hbm>>
      %dma_start3A_408 = tpu.memref_squeeze %dma_start3A_407 : memref<1x4x128xi32, #tpu.memory_space<hbm>> -> memref<4x128xi32, #tpu.memory_space<hbm>>
      tpu.enqueue_dma source(%dma_start3A_408 : memref<4x128xi32, #tpu.memory_space<hbm>>) target(%arg13 : memref<4x128xi32, #tpu.memory_space<vmem>>) target_semaphore(%run_scoped3A : memref<!tpu.dma_semaphore, #tpu.memory_space<semaphore_mem>>)
      %dma_wait3A_409 = arith.constant 0 : i32
      %dma_wait3A_410 = arith.constant 0 : i32
      %dma_wait3A_411 = tpu.memref_slice %arg3[%add3A, %dma_wait3A_409, %dma_wait3A_410] : memref<32x4x128xi32, #tpu.memory_space<hbm>> -> memref<1x4x128xi32, #tpu.memory_space<hbm>>
      %dma_wait3A_412 = tpu.memref_squeeze %dma_wait3A_411 : memref<1x4x128xi32, #tpu.memory_space<hbm>> -> memref<4x128xi32, #tpu.memory_space<hbm>>
      %dma_wait3A_413 = arith.constant 0 : i32
      %dma_wait3A_414 = arith.constant 0 : i32
      %dma_wait3A_415 = tpu.memref_slice %arg3[%add3A, %dma_wait3A_413, %dma_wait3A_414] : memref<32x4x128xi32, #tpu.memory_space<hbm>> -> memref<1x4x128xi32, #tpu.memory_space<hbm>>
      %dma_wait3A_416 = tpu.memref_squeeze %dma_wait3A_415 : memref<1x4x128xi32, #tpu.memory_space<hbm>> -> memref<4x128xi32, #tpu.memory_space<hbm>>
      tpu.wait_dma2 semaphore(%run_scoped3A : memref<!tpu.dma_semaphore, #tpu.memory_space<semaphore_mem>>) src(%dma_wait3A_416 : memref<4x128xi32, #tpu.memory_space<hbm>>) dst(%arg13 : memref<4x128xi32, #tpu.memory_space<vmem>>)
      tpu.yield
    }) : () -> ()
    %dma_start3A = arith.constant 0 : i32
    %dma_start3A_3 = arith.constant 0 : i32
    %dma_start3A_4 = arith.constant 0 : i32
    %dma_start3A_5 = tpu.memref_slice %arg14[%dma_start3A_3, %dma_start3A_4] : memref<512x128xf32, #tpu.memory_space<vmem>> -> memref<128x128xf32, #tpu.memory_space<vmem>>
    %dma_start3A_6 = arith.constant 0 : i32
    %dma_start3A_7 = tpu.memref_slice %arg13[%dma_start3A, %dma_start3A_6] : memref<4x128xi32, #tpu.memory_space<vmem>> -> memref<1x128xi32, #tpu.memory_space<vmem>>
    %dma_start3A_8 = tpu.memref_squeeze %dma_start3A_7 : memref<1x128xi32, #tpu.memory_space<vmem>> -> memref<128xi32, #tpu.memory_space<vmem>>
    %dma_start3A_9 = arith.constant 0 : i32
    %dma_start3A_10 = arith.constant 0 : i32
    %dma_start3A_11 = tpu.memref_slice %arg2[%dma_start3A_9, %dma_start3A_10] : memref<501760x128xf32, #tpu.memory_space<hbm>> -> memref<501760x128xf32, #tpu.memory_space<hbm>>
    tpu.enqueue_indirect_dma source(%dma_start3A_11 : memref<501760x128xf32, #tpu.memory_space<hbm>>) target(%dma_start3A_5 : memref<128x128xf32, #tpu.memory_space<vmem>>) offsets(%dma_start3A_8 : memref<128xi32, #tpu.memory_space<vmem>>) semaphore(%arg15 : memref<!tpu.dma_semaphore, #tpu.memory_space<semaphore_mem>>)
    %dma_start3A_12 = arith.constant 1 : i32
    %dma_start3A_13 = arith.constant 128 : i32
    %dma_start3A_14 = arith.constant 0 : i32
    %dma_start3A_15 = tpu.memref_slice %arg14[%dma_start3A_13, %dma_start3A_14] : memref<512x128xf32, #tpu.memory_space<vmem>> -> memref<128x128xf32, #tpu.memory_space<vmem>>
    %dma_start3A_16 = arith.constant 0 : i32
    %dma_start3A_17 = tpu.memref_slice %arg13[%dma_start3A_12, %dma_start3A_16] : memref<4x128xi32, #tpu.memory_space<vmem>> -> memref<1x128xi32, #tpu.memory_space<vmem>>
    %dma_start3A_18 = tpu.memref_squeeze %dma_start3A_17 : memref<1x128xi32, #tpu.memory_space<vmem>> -> memref<128xi32, #tpu.memory_space<vmem>>
    %dma_start3A_19 = arith.constant 0 : i32
    %dma_start3A_20 = arith.constant 0 : i32
    %dma_start3A_21 = tpu.memref_slice %arg2[%dma_start3A_19, %dma_start3A_20] : memref<501760x128xf32, #tpu.memory_space<hbm>> -> memref<501760x128xf32, #tpu.memory_space<hbm>>
    tpu.enqueue_indirect_dma source(%dma_start3A_21 : memref<501760x128xf32, #tpu.memory_space<hbm>>) target(%dma_start3A_15 : memref<128x128xf32, #tpu.memory_space<vmem>>) offsets(%dma_start3A_18 : memref<128xi32, #tpu.memory_space<vmem>>) semaphore(%arg15 : memref<!tpu.dma_semaphore, #tpu.memory_space<semaphore_mem>>)
    %dma_start3A_22 = arith.constant 2 : i32
    %dma_start3A_23 = arith.constant 256 : i32
    %dma_start3A_24 = arith.constant 0 : i32
    %dma_start3A_25 = tpu.memref_slice %arg14[%dma_start3A_23, %dma_start3A_24] : memref<512x128xf32, #tpu.memory_space<vmem>> -> memref<128x128xf32, #tpu.memory_space<vmem>>
    %dma_start3A_26 = arith.constant 0 : i32
    %dma_start3A_27 = tpu.memref_slice %arg13[%dma_start3A_22, %dma_start3A_26] : memref<4x128xi32, #tpu.memory_space<vmem>> -> memref<1x128xi32, #tpu.memory_space<vmem>>
    %dma_start3A_28 = tpu.memref_squeeze %dma_start3A_27 : memref<1x128xi32, #tpu.memory_space<vmem>> -> memref<128xi32, #tpu.memory_space<vmem>>
    %dma_start3A_29 = arith.constant 0 : i32
    %dma_start3A_30 = arith.constant 0 : i32
    %dma_start3A_31 = tpu.memref_slice %arg2[%dma_start3A_29, %dma_start3A_30] : memref<501760x128xf32, #tpu.memory_space<hbm>> -> memref<501760x128xf32, #tpu.memory_space<hbm>>
    tpu.enqueue_indirect_dma source(%dma_start3A_31 : memref<501760x128xf32, #tpu.memory_space<hbm>>) target(%dma_start3A_25 : memref<128x128xf32, #tpu.memory_space<vmem>>) offsets(%dma_start3A_28 : memref<128xi32, #tpu.memory_space<vmem>>) semaphore(%arg15 : memref<!tpu.dma_semaphore, #tpu.memory_space<semaphore_mem>>)
    %dma_start3A_32 = arith.constant 3 : i32
    %dma_start3A_33 = arith.constant 384 : i32
    %dma_start3A_34 = arith.constant 0 : i32
    %dma_start3A_35 = tpu.memref_slice %arg14[%dma_start3A_33, %dma_start3A_34] : memref<512x128xf32, #tpu.memory_space<vmem>> -> memref<128x128xf32, #tpu.memory_space<vmem>>
    %dma_start3A_36 = arith.constant 0 : i32
    %dma_start3A_37 = tpu.memref_slice %arg13[%dma_start3A_32, %dma_start3A_36] : memref<4x128xi32, #tpu.memory_space<vmem>> -> memref<1x128xi32, #tpu.memory_space<vmem>>
    %dma_start3A_38 = tpu.memref_squeeze %dma_start3A_37 : memref<1x128xi32, #tpu.memory_space<vmem>> -> memref<128xi32, #tpu.memory_space<vmem>>
    %dma_start3A_39 = arith.constant 0 : i32
    %dma_start3A_40 = arith.constant 0 : i32
    %dma_start3A_41 = tpu.memref_slice %arg2[%dma_start3A_39, %dma_start3A_40] : memref<501760x128xf32, #tpu.memory_space<hbm>> -> memref<501760x128xf32, #tpu.memory_space<hbm>>
    tpu.enqueue_indirect_dma source(%dma_start3A_41 : memref<501760x128xf32, #tpu.memory_space<hbm>>) target(%dma_start3A_35 : memref<128x128xf32, #tpu.memory_space<vmem>>) offsets(%dma_start3A_38 : memref<128xi32, #tpu.memory_space<vmem>>) semaphore(%arg15 : memref<!tpu.dma_semaphore, #tpu.memory_space<semaphore_mem>>)
    %dma_wait3A = arith.constant 0 : i32
    %dma_wait3A_42 = arith.constant 0 : i32
    %dma_wait3A_43 = arith.constant 0 : i32
    %dma_wait3A_44 = tpu.memref_slice %arg14[%dma_wait3A_42, %dma_wait3A_43] : memref<512x128xf32, #tpu.memory_space<vmem>> -> memref<128x128xf32, #tpu.memory_space<vmem>>
    %dma_wait3A_45 = arith.constant 0 : i32
    %dma_wait3A_46 = tpu.memref_slice %arg13[%dma_wait3A, %dma_wait3A_45] : memref<4x128xi32, #tpu.memory_space<vmem>> -> memref<1x128xi32, #tpu.memory_space<vmem>>
    %dma_wait3A_47 = tpu.memref_squeeze %dma_wait3A_46 : memref<1x128xi32, #tpu.memory_space<vmem>> -> memref<128xi32, #tpu.memory_space<vmem>>
    %dma_wait3A_48 = arith.constant 0 : i32
    %dma_wait3A_49 = arith.constant 0 : i32
    %dma_wait3A_50 = tpu.memref_slice %arg2[%dma_wait3A_48, %dma_wait3A_49] : memref<501760x128xf32, #tpu.memory_space<hbm>> -> memref<501760x128xf32, #tpu.memory_space<hbm>>
    tpu.wait_indirect_dma semaphore(%arg15 : memref<!tpu.dma_semaphore, #tpu.memory_space<semaphore_mem>>) src(%dma_wait3A_50 : memref<501760x128xf32, #tpu.memory_space<hbm>>) dst(%dma_wait3A_44 : memref<128x128xf32, #tpu.memory_space<vmem>>)
    %dma_wait3A_51 = arith.constant 1 : i32
    %dma_wait3A_52 = arith.constant 128 : i32
    %dma_wait3A_53 = arith.constant 0 : i32
    %dma_wait3A_54 = tpu.memref_slice %arg14[%dma_wait3A_52, %dma_wait3A_53] : memref<512x128xf32, #tpu.memory_space<vmem>> -> memref<128x128xf32, #tpu.memory_space<vmem>>
    %dma_wait3A_55 = arith.constant 0 : i32
    %dma_wait3A_56 = tpu.memref_slice %arg13[%dma_wait3A_51, %dma_wait3A_55] : memref<4x128xi32, #tpu.memory_space<vmem>> -> memref<1x128xi32, #tpu.memory_space<vmem>>
    %dma_wait3A_57 = tpu.memref_squeeze %dma_wait3A_56 : memref<1x128xi32, #tpu.memory_space<vmem>> -> memref<128xi32, #tpu.memory_space<vmem>>
    %dma_wait3A_58 = arith.constant 0 : i32
    %dma_wait3A_59 = arith.constant 0 : i32
    %dma_wait3A_60 = tpu.memref_slice %arg2[%dma_wait3A_58, %dma_wait3A_59] : memref<501760x128xf32, #tpu.memory_space<hbm>> -> memref<501760x128xf32, #tpu.memory_space<hbm>>
    tpu.wait_indirect_dma semaphore(%arg15 : memref<!tpu.dma_semaphore, #tpu.memory_space<semaphore_mem>>) src(%dma_wait3A_60 : memref<501760x128xf32, #tpu.memory_space<hbm>>) dst(%dma_wait3A_54 : memref<128x128xf32, #tpu.memory_space<vmem>>)
    %dma_wait3A_61 = arith.constant 2 : i32
    %dma_wait3A_62 = arith.constant 256 : i32
    %dma_wait3A_63 = arith.constant 0 : i32
    %dma_wait3A_64 = tpu.memref_slice %arg14[%dma_wait3A_62, %dma_wait3A_63] : memref<512x128xf32, #tpu.memory_space<vmem>> -> memref<128x128xf32, #tpu.memory_space<vmem>>
    %dma_wait3A_65 = arith.constant 0 : i32
    %dma_wait3A_66 = tpu.memref_slice %arg13[%dma_wait3A_61, %dma_wait3A_65] : memref<4x128xi32, #tpu.memory_space<vmem>> -> memref<1x128xi32, #tpu.memory_space<vmem>>
    %dma_wait3A_67 = tpu.memref_squeeze %dma_wait3A_66 : memref<1x128xi32, #tpu.memory_space<vmem>> -> memref<128xi32, #tpu.memory_space<vmem>>
    %dma_wait3A_68 = arith.constant 0 : i32
    %dma_wait3A_69 = arith.constant 0 : i32
    %dma_wait3A_70 = tpu.memref_slice %arg2[%dma_wait3A_68, %dma_wait3A_69] : memref<501760x128xf32, #tpu.memory_space<hbm>> -> memref<501760x128xf32, #tpu.memory_space<hbm>>
    tpu.wait_indirect_dma semaphore(%arg15 : memref<!tpu.dma_semaphore, #tpu.memory_space<semaphore_mem>>) src(%dma_wait3A_70 : memref<501760x128xf32, #tpu.memory_space<hbm>>) dst(%dma_wait3A_64 : memref<128x128xf32, #tpu.memory_space<vmem>>)
    %dma_wait3A_71 = arith.constant 3 : i32
    %dma_wait3A_72 = arith.constant 384 : i32
    %dma_wait3A_73 = arith.constant 0 : i32
    %dma_wait3A_74 = tpu.memref_slice %arg14[%dma_wait3A_72, %dma_wait3A_73] : memref<512x128xf32, #tpu.memory_space<vmem>> -> memref<128x128xf32, #tpu.memory_space<vmem>>
    %dma_wait3A_75 = arith.constant 0 : i32
    %dma_wait3A_76 = tpu.memref_slice %arg13[%dma_wait3A_71, %dma_wait3A_75] : memref<4x128xi32, #tpu.memory_space<vmem>> -> memref<1x128xi32, #tpu.memory_space<vmem>>
    %dma_wait3A_77 = tpu.memref_squeeze %dma_wait3A_76 : memref<1x128xi32, #tpu.memory_space<vmem>> -> memref<128xi32, #tpu.memory_space<vmem>>
    %dma_wait3A_78 = arith.constant 0 : i32
    %dma_wait3A_79 = arith.constant 0 : i32
    %dma_wait3A_80 = tpu.memref_slice %arg2[%dma_wait3A_78, %dma_wait3A_79] : memref<501760x128xf32, #tpu.memory_space<hbm>> -> memref<501760x128xf32, #tpu.memory_space<hbm>>
    tpu.wait_indirect_dma semaphore(%arg15 : memref<!tpu.dma_semaphore, #tpu.memory_space<semaphore_mem>>) src(%dma_wait3A_80 : memref<501760x128xf32, #tpu.memory_space<hbm>>) dst(%dma_wait3A_74 : memref<128x128xf32, #tpu.memory_space<vmem>>)
    "tpu.region"() ({
      %run_scoped3A = tpu.sem_alloc : memref<!tpu.dma_semaphore, #tpu.memory_space<semaphore_mem>>
      %dma_start3A_401 = arith.constant 0 : i32
      %dma_start3A_402 = tpu.memref_slice %arg8[%mul3A_2, %dma_start3A_401] : memref<16384x128xf32, #tpu.memory_space<hbm>> -> memref<512x128xf32, #tpu.memory_space<hbm>>
      %dma_start3A_403 = arith.constant 0 : i32
      %dma_start3A_404 = tpu.memref_slice %arg8[%mul3A_2, %dma_start3A_403] : memref<16384x128xf32, #tpu.memory_space<hbm>> -> memref<512x128xf32, #tpu.memory_space<hbm>>
      tpu.enqueue_dma source(%arg14 : memref<512x128xf32, #tpu.memory_space<vmem>>) target(%dma_start3A_404 : memref<512x128xf32, #tpu.memory_space<hbm>>) target_semaphore(%run_scoped3A : memref<!tpu.dma_semaphore, #tpu.memory_space<semaphore_mem>>)
      %dma_wait3A_405 = arith.constant 0 : i32
      %dma_wait3A_406 = tpu.memref_slice %arg8[%mul3A_2, %dma_wait3A_405] : memref<16384x128xf32, #tpu.memory_space<hbm>> -> memref<512x128xf32, #tpu.memory_space<hbm>>
      %dma_wait3A_407 = arith.constant 0 : i32
      %dma_wait3A_408 = tpu.memref_slice %arg8[%mul3A_2, %dma_wait3A_407] : memref<16384x128xf32, #tpu.memory_space<hbm>> -> memref<512x128xf32, #tpu.memory_space<hbm>>
      tpu.wait_dma2 semaphore(%run_scoped3A : memref<!tpu.dma_semaphore, #tpu.memory_space<semaphore_mem>>) src(%arg14 : memref<512x128xf32, #tpu.memory_space<vmem>>) dst(%dma_wait3A_408 : memref<512x128xf32, #tpu.memory_space<hbm>>)
      tpu.yield
    }) : () -> ()
    "tpu.region"() ({
      %run_scoped3A = tpu.sem_alloc : memref<!tpu.dma_semaphore, #tpu.memory_space<semaphore_mem>>
      %dma_start3A_401 = arith.constant 0 : i32
      %dma_start3A_402 = arith.constant 0 : i32
      %dma_start3A_403 = tpu.memref_slice %arg4[%add3A, %dma_start3A_401, %dma_start3A_402] : memref<32x4x128xi32, #tpu.memory_space<hbm>> -> memref<1x4x128xi32, #tpu.memory_space<hbm>>
      %dma_start3A_404 = tpu.memref_squeeze %dma_start3A_403 : memref<1x4x128xi32, #tpu.memory_space<hbm>> -> memref<4x128xi32, #tpu.memory_space<hbm>>
      %dma_start3A_405 = arith.constant 0 : i32
      %dma_start3A_406 = arith.constant 0 : i32
      %dma_start3A_407 = tpu.memref_slice %arg4[%add3A, %dma_start3A_405, %dma_start3A_406] : memref<32x4x128xi32, #tpu.memory_space<hbm>> -> memref<1x4x128xi32, #tpu.memory_space<hbm>>
      %dma_start3A_408 = tpu.memref_squeeze %dma_start3A_407 : memref<1x4x128xi32, #tpu.memory_space<hbm>> -> memref<4x128xi32, #tpu.memory_space<hbm>>
      tpu.enqueue_dma source(%dma_start3A_408 : memref<4x128xi32, #tpu.memory_space<hbm>>) target(%arg13 : memref<4x128xi32, #tpu.memory_space<vmem>>) target_semaphore(%run_scoped3A : memref<!tpu.dma_semaphore, #tpu.memory_space<semaphore_mem>>)
      %dma_wait3A_409 = arith.constant 0 : i32
      %dma_wait3A_410 = arith.constant 0 : i32
      %dma_wait3A_411 = tpu.memref_slice %arg4[%add3A, %dma_wait3A_409, %dma_wait3A_410] : memref<32x4x128xi32, #tpu.memory_space<hbm>> -> memref<1x4x128xi32, #tpu.memory_space<hbm>>
      %dma_wait3A_412 = tpu.memref_squeeze %dma_wait3A_411 : memref<1x4x128xi32, #tpu.memory_space<hbm>> -> memref<4x128xi32, #tpu.memory_space<hbm>>
      %dma_wait3A_413 = arith.constant 0 : i32
      %dma_wait3A_414 = arith.constant 0 : i32
      %dma_wait3A_415 = tpu.memref_slice %arg4[%add3A, %dma_wait3A_413, %dma_wait3A_414] : memref<32x4x128xi32, #tpu.memory_space<hbm>> -> memref<1x4x128xi32, #tpu.memory_space<hbm>>
      %dma_wait3A_416 = tpu.memref_squeeze %dma_wait3A_415 : memref<1x4x128xi32, #tpu.memory_space<hbm>> -> memref<4x128xi32, #tpu.memory_space<hbm>>
      tpu.wait_dma2 semaphore(%run_scoped3A : memref<!tpu.dma_semaphore, #tpu.memory_space<semaphore_mem>>) src(%dma_wait3A_416 : memref<4x128xi32, #tpu.memory_space<hbm>>) dst(%arg13 : memref<4x128xi32, #tpu.memory_space<vmem>>)
      tpu.yield
    }) : () -> ()
    %dma_start3A_81 = arith.constant 0 : i32
    %dma_start3A_82 = arith.constant 0 : i32
    %dma_start3A_83 = arith.constant 0 : i32
    %dma_start3A_84 = tpu.memref_slice %arg14[%dma_start3A_82, %dma_start3A_83] : memref<512x128xf32, #tpu.memory_space<vmem>> -> memref<128x128xf32, #tpu.memory_space<vmem>>
    %dma_start3A_85 = arith.constant 0 : i32
    %dma_start3A_86 = tpu.memref_slice %arg13[%dma_start3A_81, %dma_start3A_85] : memref<4x128xi32, #tpu.memory_space<vmem>> -> memref<1x128xi32, #tpu.memory_space<vmem>>
    %dma_start3A_87 = tpu.memref_squeeze %dma_start3A_86 : memref<1x128xi32, #tpu.memory_space<vmem>> -> memref<128xi32, #tpu.memory_space<vmem>>
    %dma_start3A_88 = arith.constant 0 : i32
    %dma_start3A_89 = arith.constant 0 : i32
    %dma_start3A_90 = tpu.memref_slice %arg2[%dma_start3A_88, %dma_start3A_89] : memref<501760x128xf32, #tpu.memory_space<hbm>> -> memref<501760x128xf32, #tpu.memory_space<hbm>>
    tpu.enqueue_indirect_dma source(%dma_start3A_90 : memref<501760x128xf32, #tpu.memory_space<hbm>>) target(%dma_start3A_84 : memref<128x128xf32, #tpu.memory_space<vmem>>) offsets(%dma_start3A_87 : memref<128xi32, #tpu.memory_space<vmem>>) semaphore(%arg15 : memref<!tpu.dma_semaphore, #tpu.memory_space<semaphore_mem>>)
    %dma_start3A_91 = arith.constant 1 : i32
    %dma_start3A_92 = arith.constant 128 : i32
    %dma_start3A_93 = arith.constant 0 : i32
    %dma_start3A_94 = tpu.memref_slice %arg14[%dma_start3A_92, %dma_start3A_93] : memref<512x128xf32, #tpu.memory_space<vmem>> -> memref<128x128xf32, #tpu.memory_space<vmem>>
    %dma_start3A_95 = arith.constant 0 : i32
    %dma_start3A_96 = tpu.memref_slice %arg13[%dma_start3A_91, %dma_start3A_95] : memref<4x128xi32, #tpu.memory_space<vmem>> -> memref<1x128xi32, #tpu.memory_space<vmem>>
    %dma_start3A_97 = tpu.memref_squeeze %dma_start3A_96 : memref<1x128xi32, #tpu.memory_space<vmem>> -> memref<128xi32, #tpu.memory_space<vmem>>
    %dma_start3A_98 = arith.constant 0 : i32
    %dma_start3A_99 = arith.constant 0 : i32
    %dma_start3A_100 = tpu.memref_slice %arg2[%dma_start3A_98, %dma_start3A_99] : memref<501760x128xf32, #tpu.memory_space<hbm>> -> memref<501760x128xf32, #tpu.memory_space<hbm>>
    tpu.enqueue_indirect_dma source(%dma_start3A_100 : memref<501760x128xf32, #tpu.memory_space<hbm>>) target(%dma_start3A_94 : memref<128x128xf32, #tpu.memory_space<vmem>>) offsets(%dma_start3A_97 : memref<128xi32, #tpu.memory_space<vmem>>) semaphore(%arg15 : memref<!tpu.dma_semaphore, #tpu.memory_space<semaphore_mem>>)
    %dma_start3A_101 = arith.constant 2 : i32
    %dma_start3A_102 = arith.constant 256 : i32
    %dma_start3A_103 = arith.constant 0 : i32
    %dma_start3A_104 = tpu.memref_slice %arg14[%dma_start3A_102, %dma_start3A_103] : memref<512x128xf32, #tpu.memory_space<vmem>> -> memref<128x128xf32, #tpu.memory_space<vmem>>
    %dma_start3A_105 = arith.constant 0 : i32
    %dma_start3A_106 = tpu.memref_slice %arg13[%dma_start3A_101, %dma_start3A_105] : memref<4x128xi32, #tpu.memory_space<vmem>> -> memref<1x128xi32, #tpu.memory_space<vmem>>
    %dma_start3A_107 = tpu.memref_squeeze %dma_start3A_106 : memref<1x128xi32, #tpu.memory_space<vmem>> -> memref<128xi32, #tpu.memory_space<vmem>>
    %dma_start3A_108 = arith.constant 0 : i32
    %dma_start3A_109 = arith.constant 0 : i32
    %dma_start3A_110 = tpu.memref_slice %arg2[%dma_start3A_108, %dma_start3A_109] : memref<501760x128xf32, #tpu.memory_space<hbm>> -> memref<501760x128xf32, #tpu.memory_space<hbm>>
    tpu.enqueue_indirect_dma source(%dma_start3A_110 : memref<501760x128xf32, #tpu.memory_space<hbm>>) target(%dma_start3A_104 : memref<128x128xf32, #tpu.memory_space<vmem>>) offsets(%dma_start3A_107 : memref<128xi32, #tpu.memory_space<vmem>>) semaphore(%arg15 : memref<!tpu.dma_semaphore, #tpu.memory_space<semaphore_mem>>)
    %dma_start3A_111 = arith.constant 3 : i32
    %dma_start3A_112 = arith.constant 384 : i32
    %dma_start3A_113 = arith.constant 0 : i32
    %dma_start3A_114 = tpu.memref_slice %arg14[%dma_start3A_112, %dma_start3A_113] : memref<512x128xf32, #tpu.memory_space<vmem>> -> memref<128x128xf32, #tpu.memory_space<vmem>>
    %dma_start3A_115 = arith.constant 0 : i32
    %dma_start3A_116 = tpu.memref_slice %arg13[%dma_start3A_111, %dma_start3A_115] : memref<4x128xi32, #tpu.memory_space<vmem>> -> memref<1x128xi32, #tpu.memory_space<vmem>>
    %dma_start3A_117 = tpu.memref_squeeze %dma_start3A_116 : memref<1x128xi32, #tpu.memory_space<vmem>> -> memref<128xi32, #tpu.memory_space<vmem>>
    %dma_start3A_118 = arith.constant 0 : i32
    %dma_start3A_119 = arith.constant 0 : i32
    %dma_start3A_120 = tpu.memref_slice %arg2[%dma_start3A_118, %dma_start3A_119] : memref<501760x128xf32, #tpu.memory_space<hbm>> -> memref<501760x128xf32, #tpu.memory_space<hbm>>
    tpu.enqueue_indirect_dma source(%dma_start3A_120 : memref<501760x128xf32, #tpu.memory_space<hbm>>) target(%dma_start3A_114 : memref<128x128xf32, #tpu.memory_space<vmem>>) offsets(%dma_start3A_117 : memref<128xi32, #tpu.memory_space<vmem>>) semaphore(%arg15 : memref<!tpu.dma_semaphore, #tpu.memory_space<semaphore_mem>>)
    %dma_wait3A_121 = arith.constant 0 : i32
    %dma_wait3A_122 = arith.constant 0 : i32
    %dma_wait3A_123 = arith.constant 0 : i32
    %dma_wait3A_124 = tpu.memref_slice %arg14[%dma_wait3A_122, %dma_wait3A_123] : memref<512x128xf32, #tpu.memory_space<vmem>> -> memref<128x128xf32, #tpu.memory_space<vmem>>
    %dma_wait3A_125 = arith.constant 0 : i32
    %dma_wait3A_126 = tpu.memref_slice %arg13[%dma_wait3A_121, %dma_wait3A_125] : memref<4x128xi32, #tpu.memory_space<vmem>> -> memref<1x128xi32, #tpu.memory_space<vmem>>
    %dma_wait3A_127 = tpu.memref_squeeze %dma_wait3A_126 : memref<1x128xi32, #tpu.memory_space<vmem>> -> memref<128xi32, #tpu.memory_space<vmem>>
    %dma_wait3A_128 = arith.constant 0 : i32
    %dma_wait3A_129 = arith.constant 0 : i32
    %dma_wait3A_130 = tpu.memref_slice %arg2[%dma_wait3A_128, %dma_wait3A_129] : memref<501760x128xf32, #tpu.memory_space<hbm>> -> memref<501760x128xf32, #tpu.memory_space<hbm>>
    tpu.wait_indirect_dma semaphore(%arg15 : memref<!tpu.dma_semaphore, #tpu.memory_space<semaphore_mem>>) src(%dma_wait3A_130 : memref<501760x128xf32, #tpu.memory_space<hbm>>) dst(%dma_wait3A_124 : memref<128x128xf32, #tpu.memory_space<vmem>>)
    %dma_wait3A_131 = arith.constant 1 : i32
    %dma_wait3A_132 = arith.constant 128 : i32
    %dma_wait3A_133 = arith.constant 0 : i32
    %dma_wait3A_134 = tpu.memref_slice %arg14[%dma_wait3A_132, %dma_wait3A_133] : memref<512x128xf32, #tpu.memory_space<vmem>> -> memref<128x128xf32, #tpu.memory_space<vmem>>
    %dma_wait3A_135 = arith.constant 0 : i32
    %dma_wait3A_136 = tpu.memref_slice %arg13[%dma_wait3A_131, %dma_wait3A_135] : memref<4x128xi32, #tpu.memory_space<vmem>> -> memref<1x128xi32, #tpu.memory_space<vmem>>
    %dma_wait3A_137 = tpu.memref_squeeze %dma_wait3A_136 : memref<1x128xi32, #tpu.memory_space<vmem>> -> memref<128xi32, #tpu.memory_space<vmem>>
    %dma_wait3A_138 = arith.constant 0 : i32
    %dma_wait3A_139 = arith.constant 0 : i32
    %dma_wait3A_140 = tpu.memref_slice %arg2[%dma_wait3A_138, %dma_wait3A_139] : memref<501760x128xf32, #tpu.memory_space<hbm>> -> memref<501760x128xf32, #tpu.memory_space<hbm>>
    tpu.wait_indirect_dma semaphore(%arg15 : memref<!tpu.dma_semaphore, #tpu.memory_space<semaphore_mem>>) src(%dma_wait3A_140 : memref<501760x128xf32, #tpu.memory_space<hbm>>) dst(%dma_wait3A_134 : memref<128x128xf32, #tpu.memory_space<vmem>>)
    %dma_wait3A_141 = arith.constant 2 : i32
    %dma_wait3A_142 = arith.constant 256 : i32
    %dma_wait3A_143 = arith.constant 0 : i32
    %dma_wait3A_144 = tpu.memref_slice %arg14[%dma_wait3A_142, %dma_wait3A_143] : memref<512x128xf32, #tpu.memory_space<vmem>> -> memref<128x128xf32, #tpu.memory_space<vmem>>
    %dma_wait3A_145 = arith.constant 0 : i32
    %dma_wait3A_146 = tpu.memref_slice %arg13[%dma_wait3A_141, %dma_wait3A_145] : memref<4x128xi32, #tpu.memory_space<vmem>> -> memref<1x128xi32, #tpu.memory_space<vmem>>
    %dma_wait3A_147 = tpu.memref_squeeze %dma_wait3A_146 : memref<1x128xi32, #tpu.memory_space<vmem>> -> memref<128xi32, #tpu.memory_space<vmem>>
    %dma_wait3A_148 = arith.constant 0 : i32
    %dma_wait3A_149 = arith.constant 0 : i32
    %dma_wait3A_150 = tpu.memref_slice %arg2[%dma_wait3A_148, %dma_wait3A_149] : memref<501760x128xf32, #tpu.memory_space<hbm>> -> memref<501760x128xf32, #tpu.memory_space<hbm>>
    tpu.wait_indirect_dma semaphore(%arg15 : memref<!tpu.dma_semaphore, #tpu.memory_space<semaphore_mem>>) src(%dma_wait3A_150 : memref<501760x128xf32, #tpu.memory_space<hbm>>) dst(%dma_wait3A_144 : memref<128x128xf32, #tpu.memory_space<vmem>>)
    %dma_wait3A_151 = arith.constant 3 : i32
    %dma_wait3A_152 = arith.constant 384 : i32
    %dma_wait3A_153 = arith.constant 0 : i32
    %dma_wait3A_154 = tpu.memref_slice %arg14[%dma_wait3A_152, %dma_wait3A_153] : memref<512x128xf32, #tpu.memory_space<vmem>> -> memref<128x128xf32, #tpu.memory_space<vmem>>
    %dma_wait3A_155 = arith.constant 0 : i32
    %dma_wait3A_156 = tpu.memref_slice %arg13[%dma_wait3A_151, %dma_wait3A_155] : memref<4x128xi32, #tpu.memory_space<vmem>> -> memref<1x128xi32, #tpu.memory_space<vmem>>
    %dma_wait3A_157 = tpu.memref_squeeze %dma_wait3A_156 : memref<1x128xi32, #tpu.memory_space<vmem>> -> memref<128xi32, #tpu.memory_space<vmem>>
    %dma_wait3A_158 = arith.constant 0 : i32
    %dma_wait3A_159 = arith.constant 0 : i32
    %dma_wait3A_160 = tpu.memref_slice %arg2[%dma_wait3A_158, %dma_wait3A_159] : memref<501760x128xf32, #tpu.memory_space<hbm>> -> memref<501760x128xf32, #tpu.memory_space<hbm>>
    tpu.wait_indirect_dma semaphore(%arg15 : memref<!tpu.dma_semaphore, #tpu.memory_space<semaphore_mem>>) src(%dma_wait3A_160 : memref<501760x128xf32, #tpu.memory_space<hbm>>) dst(%dma_wait3A_154 : memref<128x128xf32, #tpu.memory_space<vmem>>)
    "tpu.region"() ({
      %run_scoped3A = tpu.sem_alloc : memref<!tpu.dma_semaphore, #tpu.memory_space<semaphore_mem>>
      %dma_start3A_401 = arith.constant 0 : i32
      %dma_start3A_402 = tpu.memref_slice %arg9[%mul3A_2, %dma_start3A_401] : memref<16384x128xf32, #tpu.memory_space<hbm>> -> memref<512x128xf32, #tpu.memory_space<hbm>>
      %dma_start3A_403 = arith.constant 0 : i32
      %dma_start3A_404 = tpu.memref_slice %arg9[%mul3A_2, %dma_start3A_403] : memref<16384x128xf32, #tpu.memory_space<hbm>> -> memref<512x128xf32, #tpu.memory_space<hbm>>
      tpu.enqueue_dma source(%arg14 : memref<512x128xf32, #tpu.memory_space<vmem>>) target(%dma_start3A_404 : memref<512x128xf32, #tpu.memory_space<hbm>>) target_semaphore(%run_scoped3A : memref<!tpu.dma_semaphore, #tpu.memory_space<semaphore_mem>>)
      %dma_wait3A_405 = arith.constant 0 : i32
      %dma_wait3A_406 = tpu.memref_slice %arg9[%mul3A_2, %dma_wait3A_405] : memref<16384x128xf32, #tpu.memory_space<hbm>> -> memref<512x128xf32, #tpu.memory_space<hbm>>
      %dma_wait3A_407 = arith.constant 0 : i32
      %dma_wait3A_408 = tpu.memref_slice %arg9[%mul3A_2, %dma_wait3A_407] : memref<16384x128xf32, #tpu.memory_space<hbm>> -> memref<512x128xf32, #tpu.memory_space<hbm>>
      tpu.wait_dma2 semaphore(%run_scoped3A : memref<!tpu.dma_semaphore, #tpu.memory_space<semaphore_mem>>) src(%arg14 : memref<512x128xf32, #tpu.memory_space<vmem>>) dst(%dma_wait3A_408 : memref<512x128xf32, #tpu.memory_space<hbm>>)
      tpu.yield
    }) : () -> ()
    "tpu.region"() ({
      %run_scoped3A = tpu.sem_alloc : memref<!tpu.dma_semaphore, #tpu.memory_space<semaphore_mem>>
      %dma_start3A_401 = arith.constant 0 : i32
      %dma_start3A_402 = arith.constant 0 : i32
      %dma_start3A_403 = tpu.memref_slice %arg5[%add3A, %dma_start3A_401, %dma_start3A_402] : memref<32x4x128xi32, #tpu.memory_space<hbm>> -> memref<1x4x128xi32, #tpu.memory_space<hbm>>
      %dma_start3A_404 = tpu.memref_squeeze %dma_start3A_403 : memref<1x4x128xi32, #tpu.memory_space<hbm>> -> memref<4x128xi32, #tpu.memory_space<hbm>>
      %dma_start3A_405 = arith.constant 0 : i32
      %dma_start3A_406 = arith.constant 0 : i32
      %dma_start3A_407 = tpu.memref_slice %arg5[%add3A, %dma_start3A_405, %dma_start3A_406] : memref<32x4x128xi32, #tpu.memory_space<hbm>> -> memref<1x4x128xi32, #tpu.memory_space<hbm>>
      %dma_start3A_408 = tpu.memref_squeeze %dma_start3A_407 : memref<1x4x128xi32, #tpu.memory_space<hbm>> -> memref<4x128xi32, #tpu.memory_space<hbm>>
      tpu.enqueue_dma source(%dma_start3A_408 : memref<4x128xi32, #tpu.memory_space<hbm>>) target(%arg13 : memref<4x128xi32, #tpu.memory_space<vmem>>) target_semaphore(%run_scoped3A : memref<!tpu.dma_semaphore, #tpu.memory_space<semaphore_mem>>)
      %dma_wait3A_409 = arith.constant 0 : i32
      %dma_wait3A_410 = arith.constant 0 : i32
      %dma_wait3A_411 = tpu.memref_slice %arg5[%add3A, %dma_wait3A_409, %dma_wait3A_410] : memref<32x4x128xi32, #tpu.memory_space<hbm>> -> memref<1x4x128xi32, #tpu.memory_space<hbm>>
      %dma_wait3A_412 = tpu.memref_squeeze %dma_wait3A_411 : memref<1x4x128xi32, #tpu.memory_space<hbm>> -> memref<4x128xi32, #tpu.memory_space<hbm>>
      %dma_wait3A_413 = arith.constant 0 : i32
      %dma_wait3A_414 = arith.constant 0 : i32
      %dma_wait3A_415 = tpu.memref_slice %arg5[%add3A, %dma_wait3A_413, %dma_wait3A_414] : memref<32x4x128xi32, #tpu.memory_space<hbm>> -> memref<1x4x128xi32, #tpu.memory_space<hbm>>
      %dma_wait3A_416 = tpu.memref_squeeze %dma_wait3A_415 : memref<1x4x128xi32, #tpu.memory_space<hbm>> -> memref<4x128xi32, #tpu.memory_space<hbm>>
      tpu.wait_dma2 semaphore(%run_scoped3A : memref<!tpu.dma_semaphore, #tpu.memory_space<semaphore_mem>>) src(%dma_wait3A_416 : memref<4x128xi32, #tpu.memory_space<hbm>>) dst(%arg13 : memref<4x128xi32, #tpu.memory_space<vmem>>)
      tpu.yield
    }) : () -> ()
    %dma_start3A_161 = arith.constant 0 : i32
    %dma_start3A_162 = arith.constant 0 : i32
    %dma_start3A_163 = arith.constant 0 : i32
    %dma_start3A_164 = tpu.memref_slice %arg14[%dma_start3A_162, %dma_start3A_163] : memref<512x128xf32, #tpu.memory_space<vmem>> -> memref<128x128xf32, #tpu.memory_space<vmem>>
    %dma_start3A_165 = arith.constant 0 : i32
    %dma_start3A_166 = tpu.memref_slice %arg13[%dma_start3A_161, %dma_start3A_165] : memref<4x128xi32, #tpu.memory_space<vmem>> -> memref<1x128xi32, #tpu.memory_space<vmem>>
    %dma_start3A_167 = tpu.memref_squeeze %dma_start3A_166 : memref<1x128xi32, #tpu.memory_space<vmem>> -> memref<128xi32, #tpu.memory_space<vmem>>
    %dma_start3A_168 = arith.constant 0 : i32
    %dma_start3A_169 = arith.constant 0 : i32
    %dma_start3A_170 = tpu.memref_slice %arg2[%dma_start3A_168, %dma_start3A_169] : memref<501760x128xf32, #tpu.memory_space<hbm>> -> memref<501760x128xf32, #tpu.memory_space<hbm>>
    tpu.enqueue_indirect_dma source(%dma_start3A_170 : memref<501760x128xf32, #tpu.memory_space<hbm>>) target(%dma_start3A_164 : memref<128x128xf32, #tpu.memory_space<vmem>>) offsets(%dma_start3A_167 : memref<128xi32, #tpu.memory_space<vmem>>) semaphore(%arg15 : memref<!tpu.dma_semaphore, #tpu.memory_space<semaphore_mem>>)
    %dma_start3A_171 = arith.constant 1 : i32
    %dma_start3A_172 = arith.constant 128 : i32
    %dma_start3A_173 = arith.constant 0 : i32
    %dma_start3A_174 = tpu.memref_slice %arg14[%dma_start3A_172, %dma_start3A_173] : memref<512x128xf32, #tpu.memory_space<vmem>> -> memref<128x128xf32, #tpu.memory_space<vmem>>
    %dma_start3A_175 = arith.constant 0 : i32
    %dma_start3A_176 = tpu.memref_slice %arg13[%dma_start3A_171, %dma_start3A_175] : memref<4x128xi32, #tpu.memory_space<vmem>> -> memref<1x128xi32, #tpu.memory_space<vmem>>
    %dma_start3A_177 = tpu.memref_squeeze %dma_start3A_176 : memref<1x128xi32, #tpu.memory_space<vmem>> -> memref<128xi32, #tpu.memory_space<vmem>>
    %dma_start3A_178 = arith.constant 0 : i32
    %dma_start3A_179 = arith.constant 0 : i32
    %dma_start3A_180 = tpu.memref_slice %arg2[%dma_start3A_178, %dma_start3A_179] : memref<501760x128xf32, #tpu.memory_space<hbm>> -> memref<501760x128xf32, #tpu.memory_space<hbm>>
    tpu.enqueue_indirect_dma source(%dma_start3A_180 : memref<501760x128xf32, #tpu.memory_space<hbm>>) target(%dma_start3A_174 : memref<128x128xf32, #tpu.memory_space<vmem>>) offsets(%dma_start3A_177 : memref<128xi32, #tpu.memory_space<vmem>>) semaphore(%arg15 : memref<!tpu.dma_semaphore, #tpu.memory_space<semaphore_mem>>)
    %dma_start3A_181 = arith.constant 2 : i32
    %dma_start3A_182 = arith.constant 256 : i32
    %dma_start3A_183 = arith.constant 0 : i32
    %dma_start3A_184 = tpu.memref_slice %arg14[%dma_start3A_182, %dma_start3A_183] : memref<512x128xf32, #tpu.memory_space<vmem>> -> memref<128x128xf32, #tpu.memory_space<vmem>>
    %dma_start3A_185 = arith.constant 0 : i32
    %dma_start3A_186 = tpu.memref_slice %arg13[%dma_start3A_181, %dma_start3A_185] : memref<4x128xi32, #tpu.memory_space<vmem>> -> memref<1x128xi32, #tpu.memory_space<vmem>>
    %dma_start3A_187 = tpu.memref_squeeze %dma_start3A_186 : memref<1x128xi32, #tpu.memory_space<vmem>> -> memref<128xi32, #tpu.memory_space<vmem>>
    %dma_start3A_188 = arith.constant 0 : i32
    %dma_start3A_189 = arith.constant 0 : i32
    %dma_start3A_190 = tpu.memref_slice %arg2[%dma_start3A_188, %dma_start3A_189] : memref<501760x128xf32, #tpu.memory_space<hbm>> -> memref<501760x128xf32, #tpu.memory_space<hbm>>
    tpu.enqueue_indirect_dma source(%dma_start3A_190 : memref<501760x128xf32, #tpu.memory_space<hbm>>) target(%dma_start3A_184 : memref<128x128xf32, #tpu.memory_space<vmem>>) offsets(%dma_start3A_187 : memref<128xi32, #tpu.memory_space<vmem>>) semaphore(%arg15 : memref<!tpu.dma_semaphore, #tpu.memory_space<semaphore_mem>>)
    %dma_start3A_191 = arith.constant 3 : i32
    %dma_start3A_192 = arith.constant 384 : i32
    %dma_start3A_193 = arith.constant 0 : i32
    %dma_start3A_194 = tpu.memref_slice %arg14[%dma_start3A_192, %dma_start3A_193] : memref<512x128xf32, #tpu.memory_space<vmem>> -> memref<128x128xf32, #tpu.memory_space<vmem>>
    %dma_start3A_195 = arith.constant 0 : i32
    %dma_start3A_196 = tpu.memref_slice %arg13[%dma_start3A_191, %dma_start3A_195] : memref<4x128xi32, #tpu.memory_space<vmem>> -> memref<1x128xi32, #tpu.memory_space<vmem>>
    %dma_start3A_197 = tpu.memref_squeeze %dma_start3A_196 : memref<1x128xi32, #tpu.memory_space<vmem>> -> memref<128xi32, #tpu.memory_space<vmem>>
    %dma_start3A_198 = arith.constant 0 : i32
    %dma_start3A_199 = arith.constant 0 : i32
    %dma_start3A_200 = tpu.memref_slice %arg2[%dma_start3A_198, %dma_start3A_199] : memref<501760x128xf32, #tpu.memory_space<hbm>> -> memref<501760x128xf32, #tpu.memory_space<hbm>>
    tpu.enqueue_indirect_dma source(%dma_start3A_200 : memref<501760x128xf32, #tpu.memory_space<hbm>>) target(%dma_start3A_194 : memref<128x128xf32, #tpu.memory_space<vmem>>) offsets(%dma_start3A_197 : memref<128xi32, #tpu.memory_space<vmem>>) semaphore(%arg15 : memref<!tpu.dma_semaphore, #tpu.memory_space<semaphore_mem>>)
    %dma_wait3A_201 = arith.constant 0 : i32
    %dma_wait3A_202 = arith.constant 0 : i32
    %dma_wait3A_203 = arith.constant 0 : i32
    %dma_wait3A_204 = tpu.memref_slice %arg14[%dma_wait3A_202, %dma_wait3A_203] : memref<512x128xf32, #tpu.memory_space<vmem>> -> memref<128x128xf32, #tpu.memory_space<vmem>>
    %dma_wait3A_205 = arith.constant 0 : i32
    %dma_wait3A_206 = tpu.memref_slice %arg13[%dma_wait3A_201, %dma_wait3A_205] : memref<4x128xi32, #tpu.memory_space<vmem>> -> memref<1x128xi32, #tpu.memory_space<vmem>>
    %dma_wait3A_207 = tpu.memref_squeeze %dma_wait3A_206 : memref<1x128xi32, #tpu.memory_space<vmem>> -> memref<128xi32, #tpu.memory_space<vmem>>
    %dma_wait3A_208 = arith.constant 0 : i32
    %dma_wait3A_209 = arith.constant 0 : i32
    %dma_wait3A_210 = tpu.memref_slice %arg2[%dma_wait3A_208, %dma_wait3A_209] : memref<501760x128xf32, #tpu.memory_space<hbm>> -> memref<501760x128xf32, #tpu.memory_space<hbm>>
    tpu.wait_indirect_dma semaphore(%arg15 : memref<!tpu.dma_semaphore, #tpu.memory_space<semaphore_mem>>) src(%dma_wait3A_210 : memref<501760x128xf32, #tpu.memory_space<hbm>>) dst(%dma_wait3A_204 : memref<128x128xf32, #tpu.memory_space<vmem>>)
    %dma_wait3A_211 = arith.constant 1 : i32
    %dma_wait3A_212 = arith.constant 128 : i32
    %dma_wait3A_213 = arith.constant 0 : i32
    %dma_wait3A_214 = tpu.memref_slice %arg14[%dma_wait3A_212, %dma_wait3A_213] : memref<512x128xf32, #tpu.memory_space<vmem>> -> memref<128x128xf32, #tpu.memory_space<vmem>>
    %dma_wait3A_215 = arith.constant 0 : i32
    %dma_wait3A_216 = tpu.memref_slice %arg13[%dma_wait3A_211, %dma_wait3A_215] : memref<4x128xi32, #tpu.memory_space<vmem>> -> memref<1x128xi32, #tpu.memory_space<vmem>>
    %dma_wait3A_217 = tpu.memref_squeeze %dma_wait3A_216 : memref<1x128xi32, #tpu.memory_space<vmem>> -> memref<128xi32, #tpu.memory_space<vmem>>
    %dma_wait3A_218 = arith.constant 0 : i32
    %dma_wait3A_219 = arith.constant 0 : i32
    %dma_wait3A_220 = tpu.memref_slice %arg2[%dma_wait3A_218, %dma_wait3A_219] : memref<501760x128xf32, #tpu.memory_space<hbm>> -> memref<501760x128xf32, #tpu.memory_space<hbm>>
    tpu.wait_indirect_dma semaphore(%arg15 : memref<!tpu.dma_semaphore, #tpu.memory_space<semaphore_mem>>) src(%dma_wait3A_220 : memref<501760x128xf32, #tpu.memory_space<hbm>>) dst(%dma_wait3A_214 : memref<128x128xf32, #tpu.memory_space<vmem>>)
    %dma_wait3A_221 = arith.constant 2 : i32
    %dma_wait3A_222 = arith.constant 256 : i32
    %dma_wait3A_223 = arith.constant 0 : i32
    %dma_wait3A_224 = tpu.memref_slice %arg14[%dma_wait3A_222, %dma_wait3A_223] : memref<512x128xf32, #tpu.memory_space<vmem>> -> memref<128x128xf32, #tpu.memory_space<vmem>>
    %dma_wait3A_225 = arith.constant 0 : i32
    %dma_wait3A_226 = tpu.memref_slice %arg13[%dma_wait3A_221, %dma_wait3A_225] : memref<4x128xi32, #tpu.memory_space<vmem>> -> memref<1x128xi32, #tpu.memory_space<vmem>>
    %dma_wait3A_227 = tpu.memref_squeeze %dma_wait3A_226 : memref<1x128xi32, #tpu.memory_space<vmem>> -> memref<128xi32, #tpu.memory_space<vmem>>
    %dma_wait3A_228 = arith.constant 0 : i32
    %dma_wait3A_229 = arith.constant 0 : i32
    %dma_wait3A_230 = tpu.memref_slice %arg2[%dma_wait3A_228, %dma_wait3A_229] : memref<501760x128xf32, #tpu.memory_space<hbm>> -> memref<501760x128xf32, #tpu.memory_space<hbm>>
    tpu.wait_indirect_dma semaphore(%arg15 : memref<!tpu.dma_semaphore, #tpu.memory_space<semaphore_mem>>) src(%dma_wait3A_230 : memref<501760x128xf32, #tpu.memory_space<hbm>>) dst(%dma_wait3A_224 : memref<128x128xf32, #tpu.memory_space<vmem>>)
    %dma_wait3A_231 = arith.constant 3 : i32
    %dma_wait3A_232 = arith.constant 384 : i32
    %dma_wait3A_233 = arith.constant 0 : i32
    %dma_wait3A_234 = tpu.memref_slice %arg14[%dma_wait3A_232, %dma_wait3A_233] : memref<512x128xf32, #tpu.memory_space<vmem>> -> memref<128x128xf32, #tpu.memory_space<vmem>>
    %dma_wait3A_235 = arith.constant 0 : i32
    %dma_wait3A_236 = tpu.memref_slice %arg13[%dma_wait3A_231, %dma_wait3A_235] : memref<4x128xi32, #tpu.memory_space<vmem>> -> memref<1x128xi32, #tpu.memory_space<vmem>>
    %dma_wait3A_237 = tpu.memref_squeeze %dma_wait3A_236 : memref<1x128xi32, #tpu.memory_space<vmem>> -> memref<128xi32, #tpu.memory_space<vmem>>
    %dma_wait3A_238 = arith.constant 0 : i32
    %dma_wait3A_239 = arith.constant 0 : i32
    %dma_wait3A_240 = tpu.memref_slice %arg2[%dma_wait3A_238, %dma_wait3A_239] : memref<501760x128xf32, #tpu.memory_space<hbm>> -> memref<501760x128xf32, #tpu.memory_space<hbm>>
    tpu.wait_indirect_dma semaphore(%arg15 : memref<!tpu.dma_semaphore, #tpu.memory_space<semaphore_mem>>) src(%dma_wait3A_240 : memref<501760x128xf32, #tpu.memory_space<hbm>>) dst(%dma_wait3A_234 : memref<128x128xf32, #tpu.memory_space<vmem>>)
    "tpu.region"() ({
      %run_scoped3A = tpu.sem_alloc : memref<!tpu.dma_semaphore, #tpu.memory_space<semaphore_mem>>
      %dma_start3A_401 = arith.constant 0 : i32
      %dma_start3A_402 = tpu.memref_slice %arg10[%mul3A_2, %dma_start3A_401] : memref<16384x128xf32, #tpu.memory_space<hbm>> -> memref<512x128xf32, #tpu.memory_space<hbm>>
      %dma_start3A_403 = arith.constant 0 : i32
      %dma_start3A_404 = tpu.memref_slice %arg10[%mul3A_2, %dma_start3A_403] : memref<16384x128xf32, #tpu.memory_space<hbm>> -> memref<512x128xf32, #tpu.memory_space<hbm>>
      tpu.enqueue_dma source(%arg14 : memref<512x128xf32, #tpu.memory_space<vmem>>) target(%dma_start3A_404 : memref<512x128xf32, #tpu.memory_space<hbm>>) target_semaphore(%run_scoped3A : memref<!tpu.dma_semaphore, #tpu.memory_space<semaphore_mem>>)
      %dma_wait3A_405 = arith.constant 0 : i32
      %dma_wait3A_406 = tpu.memref_slice %arg10[%mul3A_2, %dma_wait3A_405] : memref<16384x128xf32, #tpu.memory_space<hbm>> -> memref<512x128xf32, #tpu.memory_space<hbm>>
      %dma_wait3A_407 = arith.constant 0 : i32
      %dma_wait3A_408 = tpu.memref_slice %arg10[%mul3A_2, %dma_wait3A_407] : memref<16384x128xf32, #tpu.memory_space<hbm>> -> memref<512x128xf32, #tpu.memory_space<hbm>>
      tpu.wait_dma2 semaphore(%run_scoped3A : memref<!tpu.dma_semaphore, #tpu.memory_space<semaphore_mem>>) src(%arg14 : memref<512x128xf32, #tpu.memory_space<vmem>>) dst(%dma_wait3A_408 : memref<512x128xf32, #tpu.memory_space<hbm>>)
      tpu.yield
    }) : () -> ()
    "tpu.region"() ({
      %run_scoped3A = tpu.sem_alloc : memref<!tpu.dma_semaphore, #tpu.memory_space<semaphore_mem>>
      %dma_start3A_401 = arith.constant 0 : i32
      %dma_start3A_402 = arith.constant 0 : i32
      %dma_start3A_403 = tpu.memref_slice %arg6[%add3A, %dma_start3A_401, %dma_start3A_402] : memref<32x4x128xi32, #tpu.memory_space<hbm>> -> memref<1x4x128xi32, #tpu.memory_space<hbm>>
      %dma_start3A_404 = tpu.memref_squeeze %dma_start3A_403 : memref<1x4x128xi32, #tpu.memory_space<hbm>> -> memref<4x128xi32, #tpu.memory_space<hbm>>
      %dma_start3A_405 = arith.constant 0 : i32
      %dma_start3A_406 = arith.constant 0 : i32
      %dma_start3A_407 = tpu.memref_slice %arg6[%add3A, %dma_start3A_405, %dma_start3A_406] : memref<32x4x128xi32, #tpu.memory_space<hbm>> -> memref<1x4x128xi32, #tpu.memory_space<hbm>>
      %dma_start3A_408 = tpu.memref_squeeze %dma_start3A_407 : memref<1x4x128xi32, #tpu.memory_space<hbm>> -> memref<4x128xi32, #tpu.memory_space<hbm>>
      tpu.enqueue_dma source(%dma_start3A_408 : memref<4x128xi32, #tpu.memory_space<hbm>>) target(%arg13 : memref<4x128xi32, #tpu.memory_space<vmem>>) target_semaphore(%run_scoped3A : memref<!tpu.dma_semaphore, #tpu.memory_space<semaphore_mem>>)
      %dma_wait3A_409 = arith.constant 0 : i32
      %dma_wait3A_410 = arith.constant 0 : i32
      %dma_wait3A_411 = tpu.memref_slice %arg6[%add3A, %dma_wait3A_409, %dma_wait3A_410] : memref<32x4x128xi32, #tpu.memory_space<hbm>> -> memref<1x4x128xi32, #tpu.memory_space<hbm>>
      %dma_wait3A_412 = tpu.memref_squeeze %dma_wait3A_411 : memref<1x4x128xi32, #tpu.memory_space<hbm>> -> memref<4x128xi32, #tpu.memory_space<hbm>>
      %dma_wait3A_413 = arith.constant 0 : i32
      %dma_wait3A_414 = arith.constant 0 : i32
      %dma_wait3A_415 = tpu.memref_slice %arg6[%add3A, %dma_wait3A_413, %dma_wait3A_414] : memref<32x4x128xi32, #tpu.memory_space<hbm>> -> memref<1x4x128xi32, #tpu.memory_space<hbm>>
      %dma_wait3A_416 = tpu.memref_squeeze %dma_wait3A_415 : memref<1x4x128xi32, #tpu.memory_space<hbm>> -> memref<4x128xi32, #tpu.memory_space<hbm>>
      tpu.wait_dma2 semaphore(%run_scoped3A : memref<!tpu.dma_semaphore, #tpu.memory_space<semaphore_mem>>) src(%dma_wait3A_416 : memref<4x128xi32, #tpu.memory_space<hbm>>) dst(%arg13 : memref<4x128xi32, #tpu.memory_space<vmem>>)
      tpu.yield
    }) : () -> ()
    %dma_start3A_241 = arith.constant 0 : i32
    %dma_start3A_242 = arith.constant 0 : i32
    %dma_start3A_243 = arith.constant 0 : i32
    %dma_start3A_244 = tpu.memref_slice %arg14[%dma_start3A_242, %dma_start3A_243] : memref<512x128xf32, #tpu.memory_space<vmem>> -> memref<128x128xf32, #tpu.memory_space<vmem>>
    %dma_start3A_245 = arith.constant 0 : i32
    %dma_start3A_246 = tpu.memref_slice %arg13[%dma_start3A_241, %dma_start3A_245] : memref<4x128xi32, #tpu.memory_space<vmem>> -> memref<1x128xi32, #tpu.memory_space<vmem>>
    %dma_start3A_247 = tpu.memref_squeeze %dma_start3A_246 : memref<1x128xi32, #tpu.memory_space<vmem>> -> memref<128xi32, #tpu.memory_space<vmem>>
    %dma_start3A_248 = arith.constant 0 : i32
    %dma_start3A_249 = arith.constant 0 : i32
    %dma_start3A_250 = tpu.memref_slice %arg2[%dma_start3A_248, %dma_start3A_249] : memref<501760x128xf32, #tpu.memory_space<hbm>> -> memref<501760x128xf32, #tpu.memory_space<hbm>>
    tpu.enqueue_indirect_dma source(%dma_start3A_250 : memref<501760x128xf32, #tpu.memory_space<hbm>>) target(%dma_start3A_244 : memref<128x128xf32, #tpu.memory_space<vmem>>) offsets(%dma_start3A_247 : memref<128xi32, #tpu.memory_space<vmem>>) semaphore(%arg15 : memref<!tpu.dma_semaphore, #tpu.memory_space<semaphore_mem>>)
    %dma_start3A_251 = arith.constant 1 : i32
    %dma_start3A_252 = arith.constant 128 : i32
    %dma_start3A_253 = arith.constant 0 : i32
    %dma_start3A_254 = tpu.memref_slice %arg14[%dma_start3A_252, %dma_start3A_253] : memref<512x128xf32, #tpu.memory_space<vmem>> -> memref<128x128xf32, #tpu.memory_space<vmem>>
    %dma_start3A_255 = arith.constant 0 : i32
    %dma_start3A_256 = tpu.memref_slice %arg13[%dma_start3A_251, %dma_start3A_255] : memref<4x128xi32, #tpu.memory_space<vmem>> -> memref<1x128xi32, #tpu.memory_space<vmem>>
    %dma_start3A_257 = tpu.memref_squeeze %dma_start3A_256 : memref<1x128xi32, #tpu.memory_space<vmem>> -> memref<128xi32, #tpu.memory_space<vmem>>
    %dma_start3A_258 = arith.constant 0 : i32
    %dma_start3A_259 = arith.constant 0 : i32
    %dma_start3A_260 = tpu.memref_slice %arg2[%dma_start3A_258, %dma_start3A_259] : memref<501760x128xf32, #tpu.memory_space<hbm>> -> memref<501760x128xf32, #tpu.memory_space<hbm>>
    tpu.enqueue_indirect_dma source(%dma_start3A_260 : memref<501760x128xf32, #tpu.memory_space<hbm>>) target(%dma_start3A_254 : memref<128x128xf32, #tpu.memory_space<vmem>>) offsets(%dma_start3A_257 : memref<128xi32, #tpu.memory_space<vmem>>) semaphore(%arg15 : memref<!tpu.dma_semaphore, #tpu.memory_space<semaphore_mem>>)
    %dma_start3A_261 = arith.constant 2 : i32
    %dma_start3A_262 = arith.constant 256 : i32
    %dma_start3A_263 = arith.constant 0 : i32
    %dma_start3A_264 = tpu.memref_slice %arg14[%dma_start3A_262, %dma_start3A_263] : memref<512x128xf32, #tpu.memory_space<vmem>> -> memref<128x128xf32, #tpu.memory_space<vmem>>
    %dma_start3A_265 = arith.constant 0 : i32
    %dma_start3A_266 = tpu.memref_slice %arg13[%dma_start3A_261, %dma_start3A_265] : memref<4x128xi32, #tpu.memory_space<vmem>> -> memref<1x128xi32, #tpu.memory_space<vmem>>
    %dma_start3A_267 = tpu.memref_squeeze %dma_start3A_266 : memref<1x128xi32, #tpu.memory_space<vmem>> -> memref<128xi32, #tpu.memory_space<vmem>>
    %dma_start3A_268 = arith.constant 0 : i32
    %dma_start3A_269 = arith.constant 0 : i32
    %dma_start3A_270 = tpu.memref_slice %arg2[%dma_start3A_268, %dma_start3A_269] : memref<501760x128xf32, #tpu.memory_space<hbm>> -> memref<501760x128xf32, #tpu.memory_space<hbm>>
    tpu.enqueue_indirect_dma source(%dma_start3A_270 : memref<501760x128xf32, #tpu.memory_space<hbm>>) target(%dma_start3A_264 : memref<128x128xf32, #tpu.memory_space<vmem>>) offsets(%dma_start3A_267 : memref<128xi32, #tpu.memory_space<vmem>>) semaphore(%arg15 : memref<!tpu.dma_semaphore, #tpu.memory_space<semaphore_mem>>)
    %dma_start3A_271 = arith.constant 3 : i32
    %dma_start3A_272 = arith.constant 384 : i32
    %dma_start3A_273 = arith.constant 0 : i32
    %dma_start3A_274 = tpu.memref_slice %arg14[%dma_start3A_272, %dma_start3A_273] : memref<512x128xf32, #tpu.memory_space<vmem>> -> memref<128x128xf32, #tpu.memory_space<vmem>>
    %dma_start3A_275 = arith.constant 0 : i32
    %dma_start3A_276 = tpu.memref_slice %arg13[%dma_start3A_271, %dma_start3A_275] : memref<4x128xi32, #tpu.memory_space<vmem>> -> memref<1x128xi32, #tpu.memory_space<vmem>>
    %dma_start3A_277 = tpu.memref_squeeze %dma_start3A_276 : memref<1x128xi32, #tpu.memory_space<vmem>> -> memref<128xi32, #tpu.memory_space<vmem>>
    %dma_start3A_278 = arith.constant 0 : i32
    %dma_start3A_279 = arith.constant 0 : i32
    %dma_start3A_280 = tpu.memref_slice %arg2[%dma_start3A_278, %dma_start3A_279] : memref<501760x128xf32, #tpu.memory_space<hbm>> -> memref<501760x128xf32, #tpu.memory_space<hbm>>
    tpu.enqueue_indirect_dma source(%dma_start3A_280 : memref<501760x128xf32, #tpu.memory_space<hbm>>) target(%dma_start3A_274 : memref<128x128xf32, #tpu.memory_space<vmem>>) offsets(%dma_start3A_277 : memref<128xi32, #tpu.memory_space<vmem>>) semaphore(%arg15 : memref<!tpu.dma_semaphore, #tpu.memory_space<semaphore_mem>>)
    %dma_wait3A_281 = arith.constant 0 : i32
    %dma_wait3A_282 = arith.constant 0 : i32
    %dma_wait3A_283 = arith.constant 0 : i32
    %dma_wait3A_284 = tpu.memref_slice %arg14[%dma_wait3A_282, %dma_wait3A_283] : memref<512x128xf32, #tpu.memory_space<vmem>> -> memref<128x128xf32, #tpu.memory_space<vmem>>
    %dma_wait3A_285 = arith.constant 0 : i32
    %dma_wait3A_286 = tpu.memref_slice %arg13[%dma_wait3A_281, %dma_wait3A_285] : memref<4x128xi32, #tpu.memory_space<vmem>> -> memref<1x128xi32, #tpu.memory_space<vmem>>
    %dma_wait3A_287 = tpu.memref_squeeze %dma_wait3A_286 : memref<1x128xi32, #tpu.memory_space<vmem>> -> memref<128xi32, #tpu.memory_space<vmem>>
    %dma_wait3A_288 = arith.constant 0 : i32
    %dma_wait3A_289 = arith.constant 0 : i32
    %dma_wait3A_290 = tpu.memref_slice %arg2[%dma_wait3A_288, %dma_wait3A_289] : memref<501760x128xf32, #tpu.memory_space<hbm>> -> memref<501760x128xf32, #tpu.memory_space<hbm>>
    tpu.wait_indirect_dma semaphore(%arg15 : memref<!tpu.dma_semaphore, #tpu.memory_space<semaphore_mem>>) src(%dma_wait3A_290 : memref<501760x128xf32, #tpu.memory_space<hbm>>) dst(%dma_wait3A_284 : memref<128x128xf32, #tpu.memory_space<vmem>>)
    %dma_wait3A_291 = arith.constant 1 : i32
    %dma_wait3A_292 = arith.constant 128 : i32
    %dma_wait3A_293 = arith.constant 0 : i32
    %dma_wait3A_294 = tpu.memref_slice %arg14[%dma_wait3A_292, %dma_wait3A_293] : memref<512x128xf32, #tpu.memory_space<vmem>> -> memref<128x128xf32, #tpu.memory_space<vmem>>
    %dma_wait3A_295 = arith.constant 0 : i32
    %dma_wait3A_296 = tpu.memref_slice %arg13[%dma_wait3A_291, %dma_wait3A_295] : memref<4x128xi32, #tpu.memory_space<vmem>> -> memref<1x128xi32, #tpu.memory_space<vmem>>
    %dma_wait3A_297 = tpu.memref_squeeze %dma_wait3A_296 : memref<1x128xi32, #tpu.memory_space<vmem>> -> memref<128xi32, #tpu.memory_space<vmem>>
    %dma_wait3A_298 = arith.constant 0 : i32
    %dma_wait3A_299 = arith.constant 0 : i32
    %dma_wait3A_300 = tpu.memref_slice %arg2[%dma_wait3A_298, %dma_wait3A_299] : memref<501760x128xf32, #tpu.memory_space<hbm>> -> memref<501760x128xf32, #tpu.memory_space<hbm>>
    tpu.wait_indirect_dma semaphore(%arg15 : memref<!tpu.dma_semaphore, #tpu.memory_space<semaphore_mem>>) src(%dma_wait3A_300 : memref<501760x128xf32, #tpu.memory_space<hbm>>) dst(%dma_wait3A_294 : memref<128x128xf32, #tpu.memory_space<vmem>>)
    %dma_wait3A_301 = arith.constant 2 : i32
    %dma_wait3A_302 = arith.constant 256 : i32
    %dma_wait3A_303 = arith.constant 0 : i32
    %dma_wait3A_304 = tpu.memref_slice %arg14[%dma_wait3A_302, %dma_wait3A_303] : memref<512x128xf32, #tpu.memory_space<vmem>> -> memref<128x128xf32, #tpu.memory_space<vmem>>
    %dma_wait3A_305 = arith.constant 0 : i32
    %dma_wait3A_306 = tpu.memref_slice %arg13[%dma_wait3A_301, %dma_wait3A_305] : memref<4x128xi32, #tpu.memory_space<vmem>> -> memref<1x128xi32, #tpu.memory_space<vmem>>
    %dma_wait3A_307 = tpu.memref_squeeze %dma_wait3A_306 : memref<1x128xi32, #tpu.memory_space<vmem>> -> memref<128xi32, #tpu.memory_space<vmem>>
    %dma_wait3A_308 = arith.constant 0 : i32
    %dma_wait3A_309 = arith.constant 0 : i32
    %dma_wait3A_310 = tpu.memref_slice %arg2[%dma_wait3A_308, %dma_wait3A_309] : memref<501760x128xf32, #tpu.memory_space<hbm>> -> memref<501760x128xf32, #tpu.memory_space<hbm>>
    tpu.wait_indirect_dma semaphore(%arg15 : memref<!tpu.dma_semaphore, #tpu.memory_space<semaphore_mem>>) src(%dma_wait3A_310 : memref<501760x128xf32, #tpu.memory_space<hbm>>) dst(%dma_wait3A_304 : memref<128x128xf32, #tpu.memory_space<vmem>>)
    %dma_wait3A_311 = arith.constant 3 : i32
    %dma_wait3A_312 = arith.constant 384 : i32
    %dma_wait3A_313 = arith.constant 0 : i32
    %dma_wait3A_314 = tpu.memref_slice %arg14[%dma_wait3A_312, %dma_wait3A_313] : memref<512x128xf32, #tpu.memory_space<vmem>> -> memref<128x128xf32, #tpu.memory_space<vmem>>
    %dma_wait3A_315 = arith.constant 0 : i32
    %dma_wait3A_316 = tpu.memref_slice %arg13[%dma_wait3A_311, %dma_wait3A_315] : memref<4x128xi32, #tpu.memory_space<vmem>> -> memref<1x128xi32, #tpu.memory_space<vmem>>
    %dma_wait3A_317 = tpu.memref_squeeze %dma_wait3A_316 : memref<1x128xi32, #tpu.memory_space<vmem>> -> memref<128xi32, #tpu.memory_space<vmem>>
    %dma_wait3A_318 = arith.constant 0 : i32
    %dma_wait3A_319 = arith.constant 0 : i32
    %dma_wait3A_320 = tpu.memref_slice %arg2[%dma_wait3A_318, %dma_wait3A_319] : memref<501760x128xf32, #tpu.memory_space<hbm>> -> memref<501760x128xf32, #tpu.memory_space<hbm>>
    tpu.wait_indirect_dma semaphore(%arg15 : memref<!tpu.dma_semaphore, #tpu.memory_space<semaphore_mem>>) src(%dma_wait3A_320 : memref<501760x128xf32, #tpu.memory_space<hbm>>) dst(%dma_wait3A_314 : memref<128x128xf32, #tpu.memory_space<vmem>>)
    "tpu.region"() ({
      %run_scoped3A = tpu.sem_alloc : memref<!tpu.dma_semaphore, #tpu.memory_space<semaphore_mem>>
      %dma_start3A_401 = arith.constant 0 : i32
      %dma_start3A_402 = tpu.memref_slice %arg11[%mul3A_2, %dma_start3A_401] : memref<16384x128xf32, #tpu.memory_space<hbm>> -> memref<512x128xf32, #tpu.memory_space<hbm>>
      %dma_start3A_403 = arith.constant 0 : i32
      %dma_start3A_404 = tpu.memref_slice %arg11[%mul3A_2, %dma_start3A_403] : memref<16384x128xf32, #tpu.memory_space<hbm>> -> memref<512x128xf32, #tpu.memory_space<hbm>>
      tpu.enqueue_dma source(%arg14 : memref<512x128xf32, #tpu.memory_space<vmem>>) target(%dma_start3A_404 : memref<512x128xf32, #tpu.memory_space<hbm>>) target_semaphore(%run_scoped3A : memref<!tpu.dma_semaphore, #tpu.memory_space<semaphore_mem>>)
      %dma_wait3A_405 = arith.constant 0 : i32
      %dma_wait3A_406 = tpu.memref_slice %arg11[%mul3A_2, %dma_wait3A_405] : memref<16384x128xf32, #tpu.memory_space<hbm>> -> memref<512x128xf32, #tpu.memory_space<hbm>>
      %dma_wait3A_407 = arith.constant 0 : i32
      %dma_wait3A_408 = tpu.memref_slice %arg11[%mul3A_2, %dma_wait3A_407] : memref<16384x128xf32, #tpu.memory_space<hbm>> -> memref<512x128xf32, #tpu.memory_space<hbm>>
      tpu.wait_dma2 semaphore(%run_scoped3A : memref<!tpu.dma_semaphore, #tpu.memory_space<semaphore_mem>>) src(%arg14 : memref<512x128xf32, #tpu.memory_space<vmem>>) dst(%dma_wait3A_408 : memref<512x128xf32, #tpu.memory_space<hbm>>)
      tpu.yield
    }) : () -> ()
    "tpu.region"() ({
      %run_scoped3A = tpu.sem_alloc : memref<!tpu.dma_semaphore, #tpu.memory_space<semaphore_mem>>
      %dma_start3A_401 = arith.constant 0 : i32
      %dma_start3A_402 = arith.constant 0 : i32
      %dma_start3A_403 = tpu.memref_slice %arg7[%add3A, %dma_start3A_401, %dma_start3A_402] : memref<32x4x128xi32, #tpu.memory_space<hbm>> -> memref<1x4x128xi32, #tpu.memory_space<hbm>>
      %dma_start3A_404 = tpu.memref_squeeze %dma_start3A_403 : memref<1x4x128xi32, #tpu.memory_space<hbm>> -> memref<4x128xi32, #tpu.memory_space<hbm>>
      %dma_start3A_405 = arith.constant 0 : i32
      %dma_start3A_406 = arith.constant 0 : i32
      %dma_start3A_407 = tpu.memref_slice %arg7[%add3A, %dma_start3A_405, %dma_start3A_406] : memref<32x4x128xi32, #tpu.memory_space<hbm>> -> memref<1x4x128xi32, #tpu.memory_space<hbm>>
      %dma_start3A_408 = tpu.memref_squeeze %dma_start3A_407 : memref<1x4x128xi32, #tpu.memory_space<hbm>> -> memref<4x128xi32, #tpu.memory_space<hbm>>
      tpu.enqueue_dma source(%dma_start3A_408 : memref<4x128xi32, #tpu.memory_space<hbm>>) target(%arg13 : memref<4x128xi32, #tpu.memory_space<vmem>>) target_semaphore(%run_scoped3A : memref<!tpu.dma_semaphore, #tpu.memory_space<semaphore_mem>>)
      %dma_wait3A_409 = arith.constant 0 : i32
      %dma_wait3A_410 = arith.constant 0 : i32
      %dma_wait3A_411 = tpu.memref_slice %arg7[%add3A, %dma_wait3A_409, %dma_wait3A_410] : memref<32x4x128xi32, #tpu.memory_space<hbm>> -> memref<1x4x128xi32, #tpu.memory_space<hbm>>
      %dma_wait3A_412 = tpu.memref_squeeze %dma_wait3A_411 : memref<1x4x128xi32, #tpu.memory_space<hbm>> -> memref<4x128xi32, #tpu.memory_space<hbm>>
      %dma_wait3A_413 = arith.constant 0 : i32
      %dma_wait3A_414 = arith.constant 0 : i32
      %dma_wait3A_415 = tpu.memref_slice %arg7[%add3A, %dma_wait3A_413, %dma_wait3A_414] : memref<32x4x128xi32, #tpu.memory_space<hbm>> -> memref<1x4x128xi32, #tpu.memory_space<hbm>>
      %dma_wait3A_416 = tpu.memref_squeeze %dma_wait3A_415 : memref<1x4x128xi32, #tpu.memory_space<hbm>> -> memref<4x128xi32, #tpu.memory_space<hbm>>
      tpu.wait_dma2 semaphore(%run_scoped3A : memref<!tpu.dma_semaphore, #tpu.memory_space<semaphore_mem>>) src(%dma_wait3A_416 : memref<4x128xi32, #tpu.memory_space<hbm>>) dst(%arg13 : memref<4x128xi32, #tpu.memory_space<vmem>>)
      tpu.yield
    }) : () -> ()
    %dma_start3A_321 = arith.constant 0 : i32
    %dma_start3A_322 = arith.constant 0 : i32
    %dma_start3A_323 = arith.constant 0 : i32
    %dma_start3A_324 = tpu.memref_slice %arg14[%dma_start3A_322, %dma_start3A_323] : memref<512x128xf32, #tpu.memory_space<vmem>> -> memref<128x128xf32, #tpu.memory_space<vmem>>
    %dma_start3A_325 = arith.constant 0 : i32
    %dma_start3A_326 = tpu.memref_slice %arg13[%dma_start3A_321, %dma_start3A_325] : memref<4x128xi32, #tpu.memory_space<vmem>> -> memref<1x128xi32, #tpu.memory_space<vmem>>
    %dma_start3A_327 = tpu.memref_squeeze %dma_start3A_326 : memref<1x128xi32, #tpu.memory_space<vmem>> -> memref<128xi32, #tpu.memory_space<vmem>>
    %dma_start3A_328 = arith.constant 0 : i32
    %dma_start3A_329 = arith.constant 0 : i32
    %dma_start3A_330 = tpu.memref_slice %arg2[%dma_start3A_328, %dma_start3A_329] : memref<501760x128xf32, #tpu.memory_space<hbm>> -> memref<501760x128xf32, #tpu.memory_space<hbm>>
    tpu.enqueue_indirect_dma source(%dma_start3A_330 : memref<501760x128xf32, #tpu.memory_space<hbm>>) target(%dma_start3A_324 : memref<128x128xf32, #tpu.memory_space<vmem>>) offsets(%dma_start3A_327 : memref<128xi32, #tpu.memory_space<vmem>>) semaphore(%arg15 : memref<!tpu.dma_semaphore, #tpu.memory_space<semaphore_mem>>)
    %dma_start3A_331 = arith.constant 1 : i32
    %dma_start3A_332 = arith.constant 128 : i32
    %dma_start3A_333 = arith.constant 0 : i32
    %dma_start3A_334 = tpu.memref_slice %arg14[%dma_start3A_332, %dma_start3A_333] : memref<512x128xf32, #tpu.memory_space<vmem>> -> memref<128x128xf32, #tpu.memory_space<vmem>>
    %dma_start3A_335 = arith.constant 0 : i32
    %dma_start3A_336 = tpu.memref_slice %arg13[%dma_start3A_331, %dma_start3A_335] : memref<4x128xi32, #tpu.memory_space<vmem>> -> memref<1x128xi32, #tpu.memory_space<vmem>>
    %dma_start3A_337 = tpu.memref_squeeze %dma_start3A_336 : memref<1x128xi32, #tpu.memory_space<vmem>> -> memref<128xi32, #tpu.memory_space<vmem>>
    %dma_start3A_338 = arith.constant 0 : i32
    %dma_start3A_339 = arith.constant 0 : i32
    %dma_start3A_340 = tpu.memref_slice %arg2[%dma_start3A_338, %dma_start3A_339] : memref<501760x128xf32, #tpu.memory_space<hbm>> -> memref<501760x128xf32, #tpu.memory_space<hbm>>
    tpu.enqueue_indirect_dma source(%dma_start3A_340 : memref<501760x128xf32, #tpu.memory_space<hbm>>) target(%dma_start3A_334 : memref<128x128xf32, #tpu.memory_space<vmem>>) offsets(%dma_start3A_337 : memref<128xi32, #tpu.memory_space<vmem>>) semaphore(%arg15 : memref<!tpu.dma_semaphore, #tpu.memory_space<semaphore_mem>>)
    %dma_start3A_341 = arith.constant 2 : i32
    %dma_start3A_342 = arith.constant 256 : i32
    %dma_start3A_343 = arith.constant 0 : i32
    %dma_start3A_344 = tpu.memref_slice %arg14[%dma_start3A_342, %dma_start3A_343] : memref<512x128xf32, #tpu.memory_space<vmem>> -> memref<128x128xf32, #tpu.memory_space<vmem>>
    %dma_start3A_345 = arith.constant 0 : i32
    %dma_start3A_346 = tpu.memref_slice %arg13[%dma_start3A_341, %dma_start3A_345] : memref<4x128xi32, #tpu.memory_space<vmem>> -> memref<1x128xi32, #tpu.memory_space<vmem>>
    %dma_start3A_347 = tpu.memref_squeeze %dma_start3A_346 : memref<1x128xi32, #tpu.memory_space<vmem>> -> memref<128xi32, #tpu.memory_space<vmem>>
    %dma_start3A_348 = arith.constant 0 : i32
    %dma_start3A_349 = arith.constant 0 : i32
    %dma_start3A_350 = tpu.memref_slice %arg2[%dma_start3A_348, %dma_start3A_349] : memref<501760x128xf32, #tpu.memory_space<hbm>> -> memref<501760x128xf32, #tpu.memory_space<hbm>>
    tpu.enqueue_indirect_dma source(%dma_start3A_350 : memref<501760x128xf32, #tpu.memory_space<hbm>>) target(%dma_start3A_344 : memref<128x128xf32, #tpu.memory_space<vmem>>) offsets(%dma_start3A_347 : memref<128xi32, #tpu.memory_space<vmem>>) semaphore(%arg15 : memref<!tpu.dma_semaphore, #tpu.memory_space<semaphore_mem>>)
    %dma_start3A_351 = arith.constant 3 : i32
    %dma_start3A_352 = arith.constant 384 : i32
    %dma_start3A_353 = arith.constant 0 : i32
    %dma_start3A_354 = tpu.memref_slice %arg14[%dma_start3A_352, %dma_start3A_353] : memref<512x128xf32, #tpu.memory_space<vmem>> -> memref<128x128xf32, #tpu.memory_space<vmem>>
    %dma_start3A_355 = arith.constant 0 : i32
    %dma_start3A_356 = tpu.memref_slice %arg13[%dma_start3A_351, %dma_start3A_355] : memref<4x128xi32, #tpu.memory_space<vmem>> -> memref<1x128xi32, #tpu.memory_space<vmem>>
    %dma_start3A_357 = tpu.memref_squeeze %dma_start3A_356 : memref<1x128xi32, #tpu.memory_space<vmem>> -> memref<128xi32, #tpu.memory_space<vmem>>
    %dma_start3A_358 = arith.constant 0 : i32
    %dma_start3A_359 = arith.constant 0 : i32
    %dma_start3A_360 = tpu.memref_slice %arg2[%dma_start3A_358, %dma_start3A_359] : memref<501760x128xf32, #tpu.memory_space<hbm>> -> memref<501760x128xf32, #tpu.memory_space<hbm>>
    tpu.enqueue_indirect_dma source(%dma_start3A_360 : memref<501760x128xf32, #tpu.memory_space<hbm>>) target(%dma_start3A_354 : memref<128x128xf32, #tpu.memory_space<vmem>>) offsets(%dma_start3A_357 : memref<128xi32, #tpu.memory_space<vmem>>) semaphore(%arg15 : memref<!tpu.dma_semaphore, #tpu.memory_space<semaphore_mem>>)
    %dma_wait3A_361 = arith.constant 0 : i32
    %dma_wait3A_362 = arith.constant 0 : i32
    %dma_wait3A_363 = arith.constant 0 : i32
    %dma_wait3A_364 = tpu.memref_slice %arg14[%dma_wait3A_362, %dma_wait3A_363] : memref<512x128xf32, #tpu.memory_space<vmem>> -> memref<128x128xf32, #tpu.memory_space<vmem>>
    %dma_wait3A_365 = arith.constant 0 : i32
    %dma_wait3A_366 = tpu.memref_slice %arg13[%dma_wait3A_361, %dma_wait3A_365] : memref<4x128xi32, #tpu.memory_space<vmem>> -> memref<1x128xi32, #tpu.memory_space<vmem>>
    %dma_wait3A_367 = tpu.memref_squeeze %dma_wait3A_366 : memref<1x128xi32, #tpu.memory_space<vmem>> -> memref<128xi32, #tpu.memory_space<vmem>>
    %dma_wait3A_368 = arith.constant 0 : i32
    %dma_wait3A_369 = arith.constant 0 : i32
    %dma_wait3A_370 = tpu.memref_slice %arg2[%dma_wait3A_368, %dma_wait3A_369] : memref<501760x128xf32, #tpu.memory_space<hbm>> -> memref<501760x128xf32, #tpu.memory_space<hbm>>
    tpu.wait_indirect_dma semaphore(%arg15 : memref<!tpu.dma_semaphore, #tpu.memory_space<semaphore_mem>>) src(%dma_wait3A_370 : memref<501760x128xf32, #tpu.memory_space<hbm>>) dst(%dma_wait3A_364 : memref<128x128xf32, #tpu.memory_space<vmem>>)
    %dma_wait3A_371 = arith.constant 1 : i32
    %dma_wait3A_372 = arith.constant 128 : i32
    %dma_wait3A_373 = arith.constant 0 : i32
    %dma_wait3A_374 = tpu.memref_slice %arg14[%dma_wait3A_372, %dma_wait3A_373] : memref<512x128xf32, #tpu.memory_space<vmem>> -> memref<128x128xf32, #tpu.memory_space<vmem>>
    %dma_wait3A_375 = arith.constant 0 : i32
    %dma_wait3A_376 = tpu.memref_slice %arg13[%dma_wait3A_371, %dma_wait3A_375] : memref<4x128xi32, #tpu.memory_space<vmem>> -> memref<1x128xi32, #tpu.memory_space<vmem>>
    %dma_wait3A_377 = tpu.memref_squeeze %dma_wait3A_376 : memref<1x128xi32, #tpu.memory_space<vmem>> -> memref<128xi32, #tpu.memory_space<vmem>>
    %dma_wait3A_378 = arith.constant 0 : i32
    %dma_wait3A_379 = arith.constant 0 : i32
    %dma_wait3A_380 = tpu.memref_slice %arg2[%dma_wait3A_378, %dma_wait3A_379] : memref<501760x128xf32, #tpu.memory_space<hbm>> -> memref<501760x128xf32, #tpu.memory_space<hbm>>
    tpu.wait_indirect_dma semaphore(%arg15 : memref<!tpu.dma_semaphore, #tpu.memory_space<semaphore_mem>>) src(%dma_wait3A_380 : memref<501760x128xf32, #tpu.memory_space<hbm>>) dst(%dma_wait3A_374 : memref<128x128xf32, #tpu.memory_space<vmem>>)
    %dma_wait3A_381 = arith.constant 2 : i32
    %dma_wait3A_382 = arith.constant 256 : i32
    %dma_wait3A_383 = arith.constant 0 : i32
    %dma_wait3A_384 = tpu.memref_slice %arg14[%dma_wait3A_382, %dma_wait3A_383] : memref<512x128xf32, #tpu.memory_space<vmem>> -> memref<128x128xf32, #tpu.memory_space<vmem>>
    %dma_wait3A_385 = arith.constant 0 : i32
    %dma_wait3A_386 = tpu.memref_slice %arg13[%dma_wait3A_381, %dma_wait3A_385] : memref<4x128xi32, #tpu.memory_space<vmem>> -> memref<1x128xi32, #tpu.memory_space<vmem>>
    %dma_wait3A_387 = tpu.memref_squeeze %dma_wait3A_386 : memref<1x128xi32, #tpu.memory_space<vmem>> -> memref<128xi32, #tpu.memory_space<vmem>>
    %dma_wait3A_388 = arith.constant 0 : i32
    %dma_wait3A_389 = arith.constant 0 : i32
    %dma_wait3A_390 = tpu.memref_slice %arg2[%dma_wait3A_388, %dma_wait3A_389] : memref<501760x128xf32, #tpu.memory_space<hbm>> -> memref<501760x128xf32, #tpu.memory_space<hbm>>
    tpu.wait_indirect_dma semaphore(%arg15 : memref<!tpu.dma_semaphore, #tpu.memory_space<semaphore_mem>>) src(%dma_wait3A_390 : memref<501760x128xf32, #tpu.memory_space<hbm>>) dst(%dma_wait3A_384 : memref<128x128xf32, #tpu.memory_space<vmem>>)
    %dma_wait3A_391 = arith.constant 3 : i32
    %dma_wait3A_392 = arith.constant 384 : i32
    %dma_wait3A_393 = arith.constant 0 : i32
    %dma_wait3A_394 = tpu.memref_slice %arg14[%dma_wait3A_392, %dma_wait3A_393] : memref<512x128xf32, #tpu.memory_space<vmem>> -> memref<128x128xf32, #tpu.memory_space<vmem>>
    %dma_wait3A_395 = arith.constant 0 : i32
    %dma_wait3A_396 = tpu.memref_slice %arg13[%dma_wait3A_391, %dma_wait3A_395] : memref<4x128xi32, #tpu.memory_space<vmem>> -> memref<1x128xi32, #tpu.memory_space<vmem>>
    %dma_wait3A_397 = tpu.memref_squeeze %dma_wait3A_396 : memref<1x128xi32, #tpu.memory_space<vmem>> -> memref<128xi32, #tpu.memory_space<vmem>>
    %dma_wait3A_398 = arith.constant 0 : i32
    %dma_wait3A_399 = arith.constant 0 : i32
    %dma_wait3A_400 = tpu.memref_slice %arg2[%dma_wait3A_398, %dma_wait3A_399] : memref<501760x128xf32, #tpu.memory_space<hbm>> -> memref<501760x128xf32, #tpu.memory_space<hbm>>
    tpu.wait_indirect_dma semaphore(%arg15 : memref<!tpu.dma_semaphore, #tpu.memory_space<semaphore_mem>>) src(%dma_wait3A_400 : memref<501760x128xf32, #tpu.memory_space<hbm>>) dst(%dma_wait3A_394 : memref<128x128xf32, #tpu.memory_space<vmem>>)
    "tpu.region"() ({
      %run_scoped3A = tpu.sem_alloc : memref<!tpu.dma_semaphore, #tpu.memory_space<semaphore_mem>>
      %dma_start3A_401 = arith.constant 0 : i32
      %dma_start3A_402 = tpu.memref_slice %arg12[%mul3A_2, %dma_start3A_401] : memref<16384x128xf32, #tpu.memory_space<hbm>> -> memref<512x128xf32, #tpu.memory_space<hbm>>
      %dma_start3A_403 = arith.constant 0 : i32
      %dma_start3A_404 = tpu.memref_slice %arg12[%mul3A_2, %dma_start3A_403] : memref<16384x128xf32, #tpu.memory_space<hbm>> -> memref<512x128xf32, #tpu.memory_space<hbm>>
      tpu.enqueue_dma source(%arg14 : memref<512x128xf32, #tpu.memory_space<vmem>>) target(%dma_start3A_404 : memref<512x128xf32, #tpu.memory_space<hbm>>) target_semaphore(%run_scoped3A : memref<!tpu.dma_semaphore, #tpu.memory_space<semaphore_mem>>)
      %dma_wait3A_405 = arith.constant 0 : i32
      %dma_wait3A_406 = tpu.memref_slice %arg12[%mul3A_2, %dma_wait3A_405] : memref<16384x128xf32, #tpu.memory_space<hbm>> -> memref<512x128xf32, #tpu.memory_space<hbm>>
      %dma_wait3A_407 = arith.constant 0 : i32
      %dma_wait3A_408 = tpu.memref_slice %arg12[%mul3A_2, %dma_wait3A_407] : memref<16384x128xf32, #tpu.memory_space<hbm>> -> memref<512x128xf32, #tpu.memory_space<hbm>>
      tpu.wait_dma2 semaphore(%run_scoped3A : memref<!tpu.dma_semaphore, #tpu.memory_space<semaphore_mem>>) src(%arg14 : memref<512x128xf32, #tpu.memory_space<vmem>>) dst(%dma_wait3A_408 : memref<512x128xf32, #tpu.memory_space<hbm>>)
      tpu.yield
    }) : () -> ()
    return
  }
}

#map = affine_map<(d0, d1) -> (0, 0)>
#map1 = affine_map<(d0, d1) -> (0, 0, 0)>
module attributes {stable_mosaic.version = 14 : i64} {
  func.func @sc_user_gather(%arg0: i32, %arg1: i32, %arg2: memref<501760x128xf32, #tpu.memory_space<hbm>>, %arg3: memref<32x4x128xi32, #tpu.memory_space<hbm>>, %arg4: memref<16384x128xf32, #tpu.memory_space<hbm>>, %arg5: memref<4x128xi32, #tpu.memory_space<vmem>>, %arg6: memref<512x128xf32, #tpu.memory_space<vmem>>, %arg7: memref<!tpu.dma_semaphore, #tpu.memory_space<semaphore_mem>>) attributes {dimension_semantics = [#tpu.dimension_semantics<core_parallel>, #tpu.dimension_semantics<subcore_parallel>], iteration_bounds = array<i64: 2, 16>, scalar_prefetch = 0 : i64, scratch_operands = 3 : i64, tpu.core_type = #tpu.core_type<sc_vector_subcore>, window_params = [{transform_indices = #map}, {transform_indices = #map1}, {transform_indices = #map}]} {
    %mul3A = arith.constant 2 : i32
    %mul3A_0 = arith.muli %arg1, %mul3A : i32
    %add3A = arith.addi %mul3A_0, %arg0 : i32
    %mul3A_1 = arith.constant 512 : i32
    %mul3A_2 = arith.muli %add3A, %mul3A_1 : i32
    "tpu.region"() ({
      %run_scoped3A = tpu.sem_alloc : memref<!tpu.dma_semaphore, #tpu.memory_space<semaphore_mem>>
      %dma_start3A_81 = arith.constant 0 : i32
      %dma_start3A_82 = arith.constant 0 : i32
      %dma_start3A_83 = tpu.memref_slice %arg3[%add3A, %dma_start3A_81, %dma_start3A_82] : memref<32x4x128xi32, #tpu.memory_space<hbm>> -> memref<1x4x128xi32, #tpu.memory_space<hbm>>
      %dma_start3A_84 = tpu.memref_squeeze %dma_start3A_83 : memref<1x4x128xi32, #tpu.memory_space<hbm>> -> memref<4x128xi32, #tpu.memory_space<hbm>>
      %dma_start3A_85 = arith.constant 0 : i32
      %dma_start3A_86 = arith.constant 0 : i32
      %dma_start3A_87 = tpu.memref_slice %arg3[%add3A, %dma_start3A_85, %dma_start3A_86] : memref<32x4x128xi32, #tpu.memory_space<hbm>> -> memref<1x4x128xi32, #tpu.memory_space<hbm>>
      %dma_start3A_88 = tpu.memref_squeeze %dma_start3A_87 : memref<1x4x128xi32, #tpu.memory_space<hbm>> -> memref<4x128xi32, #tpu.memory_space<hbm>>
      tpu.enqueue_dma source(%dma_start3A_88 : memref<4x128xi32, #tpu.memory_space<hbm>>) target(%arg5 : memref<4x128xi32, #tpu.memory_space<vmem>>) target_semaphore(%run_scoped3A : memref<!tpu.dma_semaphore, #tpu.memory_space<semaphore_mem>>)
      %dma_wait3A_89 = arith.constant 0 : i32
      %dma_wait3A_90 = arith.constant 0 : i32
      %dma_wait3A_91 = tpu.memref_slice %arg3[%add3A, %dma_wait3A_89, %dma_wait3A_90] : memref<32x4x128xi32, #tpu.memory_space<hbm>> -> memref<1x4x128xi32, #tpu.memory_space<hbm>>
      %dma_wait3A_92 = tpu.memref_squeeze %dma_wait3A_91 : memref<1x4x128xi32, #tpu.memory_space<hbm>> -> memref<4x128xi32, #tpu.memory_space<hbm>>
      %dma_wait3A_93 = arith.constant 0 : i32
      %dma_wait3A_94 = arith.constant 0 : i32
      %dma_wait3A_95 = tpu.memref_slice %arg3[%add3A, %dma_wait3A_93, %dma_wait3A_94] : memref<32x4x128xi32, #tpu.memory_space<hbm>> -> memref<1x4x128xi32, #tpu.memory_space<hbm>>
      %dma_wait3A_96 = tpu.memref_squeeze %dma_wait3A_95 : memref<1x4x128xi32, #tpu.memory_space<hbm>> -> memref<4x128xi32, #tpu.memory_space<hbm>>
      tpu.wait_dma2 semaphore(%run_scoped3A : memref<!tpu.dma_semaphore, #tpu.memory_space<semaphore_mem>>) src(%dma_wait3A_96 : memref<4x128xi32, #tpu.memory_space<hbm>>) dst(%arg5 : memref<4x128xi32, #tpu.memory_space<vmem>>)
      tpu.yield
    }) : () -> ()
    %dma_start3A = arith.constant 0 : i32
    %dma_start3A_3 = arith.constant 0 : i32
    %dma_start3A_4 = arith.constant 0 : i32
    %dma_start3A_5 = tpu.memref_slice %arg6[%dma_start3A_3, %dma_start3A_4] : memref<512x128xf32, #tpu.memory_space<vmem>> -> memref<128x128xf32, #tpu.memory_space<vmem>>
    %dma_start3A_6 = arith.constant 0 : i32
    %dma_start3A_7 = tpu.memref_slice %arg5[%dma_start3A, %dma_start3A_6] : memref<4x128xi32, #tpu.memory_space<vmem>> -> memref<1x128xi32, #tpu.memory_space<vmem>>
    %dma_start3A_8 = tpu.memref_squeeze %dma_start3A_7 : memref<1x128xi32, #tpu.memory_space<vmem>> -> memref<128xi32, #tpu.memory_space<vmem>>
    %dma_start3A_9 = arith.constant 0 : i32
    %dma_start3A_10 = arith.constant 0 : i32
    %dma_start3A_11 = tpu.memref_slice %arg2[%dma_start3A_9, %dma_start3A_10] : memref<501760x128xf32, #tpu.memory_space<hbm>> -> memref<501760x128xf32, #tpu.memory_space<hbm>>
    tpu.enqueue_indirect_dma source(%dma_start3A_11 : memref<501760x128xf32, #tpu.memory_space<hbm>>) target(%dma_start3A_5 : memref<128x128xf32, #tpu.memory_space<vmem>>) offsets(%dma_start3A_8 : memref<128xi32, #tpu.memory_space<vmem>>) semaphore(%arg7 : memref<!tpu.dma_semaphore, #tpu.memory_space<semaphore_mem>>)
    %dma_start3A_12 = arith.constant 1 : i32
    %dma_start3A_13 = arith.constant 128 : i32
    %dma_start3A_14 = arith.constant 0 : i32
    %dma_start3A_15 = tpu.memref_slice %arg6[%dma_start3A_13, %dma_start3A_14] : memref<512x128xf32, #tpu.memory_space<vmem>> -> memref<128x128xf32, #tpu.memory_space<vmem>>
    %dma_start3A_16 = arith.constant 0 : i32
    %dma_start3A_17 = tpu.memref_slice %arg5[%dma_start3A_12, %dma_start3A_16] : memref<4x128xi32, #tpu.memory_space<vmem>> -> memref<1x128xi32, #tpu.memory_space<vmem>>
    %dma_start3A_18 = tpu.memref_squeeze %dma_start3A_17 : memref<1x128xi32, #tpu.memory_space<vmem>> -> memref<128xi32, #tpu.memory_space<vmem>>
    %dma_start3A_19 = arith.constant 0 : i32
    %dma_start3A_20 = arith.constant 0 : i32
    %dma_start3A_21 = tpu.memref_slice %arg2[%dma_start3A_19, %dma_start3A_20] : memref<501760x128xf32, #tpu.memory_space<hbm>> -> memref<501760x128xf32, #tpu.memory_space<hbm>>
    tpu.enqueue_indirect_dma source(%dma_start3A_21 : memref<501760x128xf32, #tpu.memory_space<hbm>>) target(%dma_start3A_15 : memref<128x128xf32, #tpu.memory_space<vmem>>) offsets(%dma_start3A_18 : memref<128xi32, #tpu.memory_space<vmem>>) semaphore(%arg7 : memref<!tpu.dma_semaphore, #tpu.memory_space<semaphore_mem>>)
    %dma_start3A_22 = arith.constant 2 : i32
    %dma_start3A_23 = arith.constant 256 : i32
    %dma_start3A_24 = arith.constant 0 : i32
    %dma_start3A_25 = tpu.memref_slice %arg6[%dma_start3A_23, %dma_start3A_24] : memref<512x128xf32, #tpu.memory_space<vmem>> -> memref<128x128xf32, #tpu.memory_space<vmem>>
    %dma_start3A_26 = arith.constant 0 : i32
    %dma_start3A_27 = tpu.memref_slice %arg5[%dma_start3A_22, %dma_start3A_26] : memref<4x128xi32, #tpu.memory_space<vmem>> -> memref<1x128xi32, #tpu.memory_space<vmem>>
    %dma_start3A_28 = tpu.memref_squeeze %dma_start3A_27 : memref<1x128xi32, #tpu.memory_space<vmem>> -> memref<128xi32, #tpu.memory_space<vmem>>
    %dma_start3A_29 = arith.constant 0 : i32
    %dma_start3A_30 = arith.constant 0 : i32
    %dma_start3A_31 = tpu.memref_slice %arg2[%dma_start3A_29, %dma_start3A_30] : memref<501760x128xf32, #tpu.memory_space<hbm>> -> memref<501760x128xf32, #tpu.memory_space<hbm>>
    tpu.enqueue_indirect_dma source(%dma_start3A_31 : memref<501760x128xf32, #tpu.memory_space<hbm>>) target(%dma_start3A_25 : memref<128x128xf32, #tpu.memory_space<vmem>>) offsets(%dma_start3A_28 : memref<128xi32, #tpu.memory_space<vmem>>) semaphore(%arg7 : memref<!tpu.dma_semaphore, #tpu.memory_space<semaphore_mem>>)
    %dma_start3A_32 = arith.constant 3 : i32
    %dma_start3A_33 = arith.constant 384 : i32
    %dma_start3A_34 = arith.constant 0 : i32
    %dma_start3A_35 = tpu.memref_slice %arg6[%dma_start3A_33, %dma_start3A_34] : memref<512x128xf32, #tpu.memory_space<vmem>> -> memref<128x128xf32, #tpu.memory_space<vmem>>
    %dma_start3A_36 = arith.constant 0 : i32
    %dma_start3A_37 = tpu.memref_slice %arg5[%dma_start3A_32, %dma_start3A_36] : memref<4x128xi32, #tpu.memory_space<vmem>> -> memref<1x128xi32, #tpu.memory_space<vmem>>
    %dma_start3A_38 = tpu.memref_squeeze %dma_start3A_37 : memref<1x128xi32, #tpu.memory_space<vmem>> -> memref<128xi32, #tpu.memory_space<vmem>>
    %dma_start3A_39 = arith.constant 0 : i32
    %dma_start3A_40 = arith.constant 0 : i32
    %dma_start3A_41 = tpu.memref_slice %arg2[%dma_start3A_39, %dma_start3A_40] : memref<501760x128xf32, #tpu.memory_space<hbm>> -> memref<501760x128xf32, #tpu.memory_space<hbm>>
    tpu.enqueue_indirect_dma source(%dma_start3A_41 : memref<501760x128xf32, #tpu.memory_space<hbm>>) target(%dma_start3A_35 : memref<128x128xf32, #tpu.memory_space<vmem>>) offsets(%dma_start3A_38 : memref<128xi32, #tpu.memory_space<vmem>>) semaphore(%arg7 : memref<!tpu.dma_semaphore, #tpu.memory_space<semaphore_mem>>)
    %dma_wait3A = arith.constant 0 : i32
    %dma_wait3A_42 = arith.constant 0 : i32
    %dma_wait3A_43 = arith.constant 0 : i32
    %dma_wait3A_44 = tpu.memref_slice %arg6[%dma_wait3A_42, %dma_wait3A_43] : memref<512x128xf32, #tpu.memory_space<vmem>> -> memref<128x128xf32, #tpu.memory_space<vmem>>
    %dma_wait3A_45 = arith.constant 0 : i32
    %dma_wait3A_46 = tpu.memref_slice %arg5[%dma_wait3A, %dma_wait3A_45] : memref<4x128xi32, #tpu.memory_space<vmem>> -> memref<1x128xi32, #tpu.memory_space<vmem>>
    %dma_wait3A_47 = tpu.memref_squeeze %dma_wait3A_46 : memref<1x128xi32, #tpu.memory_space<vmem>> -> memref<128xi32, #tpu.memory_space<vmem>>
    %dma_wait3A_48 = arith.constant 0 : i32
    %dma_wait3A_49 = arith.constant 0 : i32
    %dma_wait3A_50 = tpu.memref_slice %arg2[%dma_wait3A_48, %dma_wait3A_49] : memref<501760x128xf32, #tpu.memory_space<hbm>> -> memref<501760x128xf32, #tpu.memory_space<hbm>>
    tpu.wait_indirect_dma semaphore(%arg7 : memref<!tpu.dma_semaphore, #tpu.memory_space<semaphore_mem>>) src(%dma_wait3A_50 : memref<501760x128xf32, #tpu.memory_space<hbm>>) dst(%dma_wait3A_44 : memref<128x128xf32, #tpu.memory_space<vmem>>)
    %dma_wait3A_51 = arith.constant 1 : i32
    %dma_wait3A_52 = arith.constant 128 : i32
    %dma_wait3A_53 = arith.constant 0 : i32
    %dma_wait3A_54 = tpu.memref_slice %arg6[%dma_wait3A_52, %dma_wait3A_53] : memref<512x128xf32, #tpu.memory_space<vmem>> -> memref<128x128xf32, #tpu.memory_space<vmem>>
    %dma_wait3A_55 = arith.constant 0 : i32
    %dma_wait3A_56 = tpu.memref_slice %arg5[%dma_wait3A_51, %dma_wait3A_55] : memref<4x128xi32, #tpu.memory_space<vmem>> -> memref<1x128xi32, #tpu.memory_space<vmem>>
    %dma_wait3A_57 = tpu.memref_squeeze %dma_wait3A_56 : memref<1x128xi32, #tpu.memory_space<vmem>> -> memref<128xi32, #tpu.memory_space<vmem>>
    %dma_wait3A_58 = arith.constant 0 : i32
    %dma_wait3A_59 = arith.constant 0 : i32
    %dma_wait3A_60 = tpu.memref_slice %arg2[%dma_wait3A_58, %dma_wait3A_59] : memref<501760x128xf32, #tpu.memory_space<hbm>> -> memref<501760x128xf32, #tpu.memory_space<hbm>>
    tpu.wait_indirect_dma semaphore(%arg7 : memref<!tpu.dma_semaphore, #tpu.memory_space<semaphore_mem>>) src(%dma_wait3A_60 : memref<501760x128xf32, #tpu.memory_space<hbm>>) dst(%dma_wait3A_54 : memref<128x128xf32, #tpu.memory_space<vmem>>)
    %dma_wait3A_61 = arith.constant 2 : i32
    %dma_wait3A_62 = arith.constant 256 : i32
    %dma_wait3A_63 = arith.constant 0 : i32
    %dma_wait3A_64 = tpu.memref_slice %arg6[%dma_wait3A_62, %dma_wait3A_63] : memref<512x128xf32, #tpu.memory_space<vmem>> -> memref<128x128xf32, #tpu.memory_space<vmem>>
    %dma_wait3A_65 = arith.constant 0 : i32
    %dma_wait3A_66 = tpu.memref_slice %arg5[%dma_wait3A_61, %dma_wait3A_65] : memref<4x128xi32, #tpu.memory_space<vmem>> -> memref<1x128xi32, #tpu.memory_space<vmem>>
    %dma_wait3A_67 = tpu.memref_squeeze %dma_wait3A_66 : memref<1x128xi32, #tpu.memory_space<vmem>> -> memref<128xi32, #tpu.memory_space<vmem>>
    %dma_wait3A_68 = arith.constant 0 : i32
    %dma_wait3A_69 = arith.constant 0 : i32
    %dma_wait3A_70 = tpu.memref_slice %arg2[%dma_wait3A_68, %dma_wait3A_69] : memref<501760x128xf32, #tpu.memory_space<hbm>> -> memref<501760x128xf32, #tpu.memory_space<hbm>>
    tpu.wait_indirect_dma semaphore(%arg7 : memref<!tpu.dma_semaphore, #tpu.memory_space<semaphore_mem>>) src(%dma_wait3A_70 : memref<501760x128xf32, #tpu.memory_space<hbm>>) dst(%dma_wait3A_64 : memref<128x128xf32, #tpu.memory_space<vmem>>)
    %dma_wait3A_71 = arith.constant 3 : i32
    %dma_wait3A_72 = arith.constant 384 : i32
    %dma_wait3A_73 = arith.constant 0 : i32
    %dma_wait3A_74 = tpu.memref_slice %arg6[%dma_wait3A_72, %dma_wait3A_73] : memref<512x128xf32, #tpu.memory_space<vmem>> -> memref<128x128xf32, #tpu.memory_space<vmem>>
    %dma_wait3A_75 = arith.constant 0 : i32
    %dma_wait3A_76 = tpu.memref_slice %arg5[%dma_wait3A_71, %dma_wait3A_75] : memref<4x128xi32, #tpu.memory_space<vmem>> -> memref<1x128xi32, #tpu.memory_space<vmem>>
    %dma_wait3A_77 = tpu.memref_squeeze %dma_wait3A_76 : memref<1x128xi32, #tpu.memory_space<vmem>> -> memref<128xi32, #tpu.memory_space<vmem>>
    %dma_wait3A_78 = arith.constant 0 : i32
    %dma_wait3A_79 = arith.constant 0 : i32
    %dma_wait3A_80 = tpu.memref_slice %arg2[%dma_wait3A_78, %dma_wait3A_79] : memref<501760x128xf32, #tpu.memory_space<hbm>> -> memref<501760x128xf32, #tpu.memory_space<hbm>>
    tpu.wait_indirect_dma semaphore(%arg7 : memref<!tpu.dma_semaphore, #tpu.memory_space<semaphore_mem>>) src(%dma_wait3A_80 : memref<501760x128xf32, #tpu.memory_space<hbm>>) dst(%dma_wait3A_74 : memref<128x128xf32, #tpu.memory_space<vmem>>)
    "tpu.region"() ({
      %run_scoped3A = tpu.sem_alloc : memref<!tpu.dma_semaphore, #tpu.memory_space<semaphore_mem>>
      %dma_start3A_81 = arith.constant 0 : i32
      %dma_start3A_82 = tpu.memref_slice %arg4[%mul3A_2, %dma_start3A_81] : memref<16384x128xf32, #tpu.memory_space<hbm>> -> memref<512x128xf32, #tpu.memory_space<hbm>>
      %dma_start3A_83 = arith.constant 0 : i32
      %dma_start3A_84 = tpu.memref_slice %arg4[%mul3A_2, %dma_start3A_83] : memref<16384x128xf32, #tpu.memory_space<hbm>> -> memref<512x128xf32, #tpu.memory_space<hbm>>
      tpu.enqueue_dma source(%arg6 : memref<512x128xf32, #tpu.memory_space<vmem>>) target(%dma_start3A_84 : memref<512x128xf32, #tpu.memory_space<hbm>>) target_semaphore(%run_scoped3A : memref<!tpu.dma_semaphore, #tpu.memory_space<semaphore_mem>>)
      %dma_wait3A_85 = arith.constant 0 : i32
      %dma_wait3A_86 = tpu.memref_slice %arg4[%mul3A_2, %dma_wait3A_85] : memref<16384x128xf32, #tpu.memory_space<hbm>> -> memref<512x128xf32, #tpu.memory_space<hbm>>
      %dma_wait3A_87 = arith.constant 0 : i32
      %dma_wait3A_88 = tpu.memref_slice %arg4[%mul3A_2, %dma_wait3A_87] : memref<16384x128xf32, #tpu.memory_space<hbm>> -> memref<512x128xf32, #tpu.memory_space<hbm>>
      tpu.wait_dma2 semaphore(%run_scoped3A : memref<!tpu.dma_semaphore, #tpu.memory_space<semaphore_mem>>) src(%arg6 : memref<512x128xf32, #tpu.memory_space<vmem>>) dst(%dma_wait3A_88 : memref<512x128xf32, #tpu.memory_space<hbm>>)
      tpu.yield
    }) : () -> ()
    return
  }
}

module attributes {stable_mosaic.version = 14 : i64} {
  func.func @_repack_body(%arg0: i32, %arg1: memref<64x2048xf32, #tpu.memory_space<vmem>>, %arg2: memref<64x2048xf32, #tpu.memory_space<vmem>>, %arg3: memref<2048x128xf32, #tpu.memory_space<vmem>>) attributes {dimension_semantics = [#tpu.dimension_semantics<arbitrary>], iteration_bounds = array<i64: 245>, scalar_prefetch = 0 : i64, scratch_operands = 0 : i64, tpu.core_type = #tpu.core_type<tc>, window_params = [{transform_indices = @transform_0, window_bounds = array<i64: 64, 2048>}, {transform_indices = @transform_1, window_bounds = array<i64: 64, 2048>}, {transform_indices = @transform_2, window_bounds = array<i64: 2048, 128>}]} {
    %get3A = arith.constant 0 : index
    %get3A_0 = arith.constant 0 : index
    %get3A_1 = vector.load %arg1[%get3A, %get3A_0] : memref<64x2048xf32, #tpu.memory_space<vmem>>, vector<64x2048xf32>
    %transpose3A = tpu.transpose %get3A_1, [1, 0] : vector<64x2048xf32> -> vector<2048x64xf32>
    %get3A_2 = arith.constant 0 : index
    %get3A_3 = arith.constant 0 : index
    %get3A_4 = vector.load %arg2[%get3A_2, %get3A_3] : memref<64x2048xf32, #tpu.memory_space<vmem>>, vector<64x2048xf32>
    %transpose3A_5 = tpu.transpose %get3A_4, [1, 0] : vector<64x2048xf32> -> vector<2048x64xf32>
    %concatenate3A = tpu.concatenate %transpose3A, %transpose3A_5 in 1 : vector<2048x64xf32>, vector<2048x64xf32> -> vector<2048x128xf32>
    %swap3A = arith.constant 0 : index
    %swap3A_6 = arith.constant 0 : index
    %swap3A_7 = vector.load %arg3[%swap3A, %swap3A_6] : memref<2048x128xf32, #tpu.memory_space<vmem>>, vector<2048x128xf32>
    tpu.vector_store %arg3[%swap3A, %swap3A_6], %concatenate3A {strides = array<i32>} : memref<2048x128xf32, #tpu.memory_space<vmem>>, vector<2048x128xf32>,
    return
  }
  func.func @transform_0(%arg0: i32) -> (i32, i32) {
    %c0_i32 = arith.constant 0 : i32
    %c0_i32_0 = arith.constant 0 : i32
    return %c0_i32, %arg0 : i32, i32
  }
  func.func @transform_1(%arg0: i32) -> (i32, i32) {
    %lt3A = arith.constant 243 : i32
    %lt3A_0 = arith.cmpi slt, %arg0, %lt3A : i32
    %add3A = arith.constant 245 : i32
    %add3A_1 = arith.addi %arg0, %add3A : i32
    %jit3A = arith.constant 0 : i32
    %select_n3A = arith.select %lt3A_0, %add3A_1, %jit3A : i32
    %c0_i32 = arith.constant 0 : i32
    %c0_i32_2 = arith.constant 0 : i32
    return %c0_i32, %select_n3A : i32, i32
  }
  func.func @transform_2(%arg0: i32) -> (i32, i32) {
    %c0_i32 = arith.constant 0 : i32
    %c0_i32_0 = arith.constant 0 : i32
    return %arg0, %c0_i32 : i32, i32
  }
}

module attributes {stable_mosaic.version = 14 : i64} {
  func.func @_repack_body(%arg0: i32, %arg1: memref<64x2048xf32, #tpu.memory_space<vmem>>, %arg2: memref<64x2048xf32, #tpu.memory_space<vmem>>, %arg3: memref<2048x128xf32, #tpu.memory_space<vmem>>) attributes {dimension_semantics = [#tpu.dimension_semantics<arbitrary>], iteration_bounds = array<i64: 245>, scalar_prefetch = 0 : i64, scratch_operands = 0 : i64, tpu.core_type = #tpu.core_type<tc>, window_params = [{transform_indices = @transform_0, window_bounds = array<i64: 64, 2048>}, {transform_indices = @transform_1, window_bounds = array<i64: 64, 2048>}, {transform_indices = @transform_2, window_bounds = array<i64: 2048, 128>}]} {
    %get3A = arith.constant 0 : index
    %get3A_0 = arith.constant 0 : index
    %get3A_1 = vector.load %arg1[%get3A, %get3A_0] : memref<64x2048xf32, #tpu.memory_space<vmem>>, vector<64x2048xf32>
    %transpose3A = tpu.transpose %get3A_1, [1, 0] : vector<64x2048xf32> -> vector<2048x64xf32>
    %get3A_2 = arith.constant 0 : index
    %get3A_3 = arith.constant 0 : index
    %get3A_4 = vector.load %arg2[%get3A_2, %get3A_3] : memref<64x2048xf32, #tpu.memory_space<vmem>>, vector<64x2048xf32>
    %transpose3A_5 = tpu.transpose %get3A_4, [1, 0] : vector<64x2048xf32> -> vector<2048x64xf32>
    %concatenate3A = tpu.concatenate %transpose3A, %transpose3A_5 in 1 : vector<2048x64xf32>, vector<2048x64xf32> -> vector<2048x128xf32>
    %swap3A = arith.constant 0 : index
    %swap3A_6 = arith.constant 0 : index
    %swap3A_7 = vector.load %arg3[%swap3A, %swap3A_6] : memref<2048x128xf32, #tpu.memory_space<vmem>>, vector<2048x128xf32>
    tpu.vector_store %arg3[%swap3A, %swap3A_6], %concatenate3A {strides = array<i32>} : memref<2048x128xf32, #tpu.memory_space<vmem>>, vector<2048x128xf32>,
    return
  }
  func.func @transform_0(%arg0: i32) -> (i32, i32) {
    %c0_i32 = arith.constant 0 : i32
    %c0_i32_0 = arith.constant 0 : i32
    return %c0_i32, %arg0 : i32, i32
  }
  func.func @transform_1(%arg0: i32) -> (i32, i32) {
    %lt3A = arith.constant 243 : i32
    %lt3A_0 = arith.cmpi slt, %arg0, %lt3A : i32
    %add3A = arith.constant 245 : i32
    %add3A_1 = arith.addi %arg0, %add3A : i32
    %jit3A = arith.constant 0 : i32
    %select_n3A = arith.select %lt3A_0, %add3A_1, %jit3A : i32
    %c0_i32 = arith.constant 0 : i32
    %c0_i32_2 = arith.constant 0 : i32
    return %c0_i32, %select_n3A : i32, i32
  }
  func.func @transform_2(%arg0: i32) -> (i32, i32) {
    %c0_i32 = arith.constant 0 : i32
    %c0_i32_0 = arith.constant 0 : i32
    return %arg0, %c0_i32 : i32, i32
  }
}

module attributes {stable_mosaic.version = 14 : i64} {
  func.func @_tc_body(%arg0: i32, %arg1: memref<1024x128xf32, #tpu.memory_space<vmem>>, %arg2: memref<1024x128xf32, #tpu.memory_space<vmem>>, %arg3: memref<1024x128xf32, #tpu.memory_space<vmem>>, %arg4: memref<1024x128xf32, #tpu.memory_space<vmem>>, %arg5: memref<1024x128xf32, #tpu.memory_space<vmem>>, %arg6: memref<1024x128xf32, #tpu.memory_space<vmem>>, %arg7: memref<1024x1xf32, #tpu.memory_space<vmem>>, %arg8: memref<1024x1xf32, #tpu.memory_space<vmem>>, %arg9: memref<1024x1xf32, #tpu.memory_space<vmem>>, %arg10: memref<1024x1xf32, #tpu.memory_space<vmem>>, %arg11: memref<1024x1xf32, #tpu.memory_space<vmem>>, %arg12: memref<1024x1xf32, #tpu.memory_space<vmem>>, %arg13: memref<1024x1xi32, #tpu.memory_space<vmem>>, %arg14: memref<1024x1xi32, #tpu.memory_space<vmem>>, %arg15: memref<1024x1xi32, #tpu.memory_space<vmem>>, %arg16: memref<1024x1xi32, #tpu.memory_space<vmem>>, %arg17: memref<1024x1xi32, #tpu.memory_space<vmem>>, %arg18: memref<1024x1xi32, #tpu.memory_space<vmem>>, %arg19: memref<576x64xf32, #tpu.memory_space<vmem>>, %arg20: memref<576x64xf32, #tpu.memory_space<vmem>>, %arg21: memref<64x64xf32, #tpu.memory_space<vmem>>, %arg22: memref<1x64xf32, #tpu.memory_space<vmem>>, %arg23: memref<64x64xf32, #tpu.memory_space<vmem>>, %arg24: memref<1x64xf32, #tpu.memory_space<vmem>>, %arg25: memref<64x64xf32, #tpu.memory_space<vmem>>, %arg26: memref<1x64xf32, #tpu.memory_space<vmem>>, %arg27: memref<64x64xf32, #tpu.memory_space<vmem>>, %arg28: memref<1x64xf32, #tpu.memory_space<vmem>>, %arg29: memref<1x64xf32, #tpu.memory_space<vmem>>, %arg30: memref<4xf32, #tpu.memory_space<smem>>, %arg31: memref<1024x1xf32, #tpu.memory_space<vmem>>) attributes {dimension_semantics = [#tpu.dimension_semantics<parallel>], iteration_bounds = array<i64: 16>, scalar_prefetch = 0 : i64, scratch_operands = 0 : i64, tpu.core_type = #tpu.core_type<tc>, window_params = [{transform_indices = @transform_0, window_bounds = array<i64: 1024, 128>}, {transform_indices = @transform_1, window_bounds = array<i64: 1024, 128>}, {transform_indices = @transform_2, window_bounds = array<i64: 1024, 128>}, {transform_indices = @transform_3, window_bounds = array<i64: 1024, 128>}, {transform_indices = @transform_4, window_bounds = array<i64: 1024, 128>}, {transform_indices = @transform_5, window_bounds = array<i64: 1024, 128>}, {transform_indices = @transform_6, window_bounds = array<i64: 1024, 1>}, {transform_indices = @transform_7, window_bounds = array<i64: 1024, 1>}, {transform_indices = @transform_8, window_bounds = array<i64: 1024, 1>}, {transform_indices = @transform_9, window_bounds = array<i64: 1024, 1>}, {transform_indices = @transform_10, window_bounds = array<i64: 1024, 1>}, {transform_indices = @transform_11, window_bounds = array<i64: 1024, 1>}, {transform_indices = @transform_12, window_bounds = array<i64: 1024, 1>}, {transform_indices = @transform_13, window_bounds = array<i64: 1024, 1>}, {transform_indices = @transform_14, window_bounds = array<i64: 1024, 1>}, {transform_indices = @transform_15, window_bounds = array<i64: 1024, 1>}, {transform_indices = @transform_16, window_bounds = array<i64: 1024, 1>}, {transform_indices = @transform_17, window_bounds = array<i64: 1024, 1>}, {pipeline_mode = #tpu.pipeline_mode<synchronous>, transform_indices = @transform_18, window_bounds = array<i64: 576, 64>}, {pipeline_mode = #tpu.pipeline_mode<synchronous>, transform_indices = @transform_19, window_bounds = array<i64: 576, 64>}, {pipeline_mode = #tpu.pipeline_mode<synchronous>, transform_indices = @transform_20, window_bounds = array<i64: 64, 64>}, {pipeline_mode = #tpu.pipeline_mode<synchronous>, transform_indices = @transform_21, window_bounds = array<i64: 1, 64>}, {pipeline_mode = #tpu.pipeline_mode<synchronous>, transform_indices = @transform_22, window_bounds = array<i64: 64, 64>}, {pipeline_mode = #tpu.pipeline_mode<synchronous>, transform_indices = @transform_23, window_bounds = array<i64: 1, 64>}, {pipeline_mode = #tpu.pipeline_mode<synchronous>, transform_indices = @transform_24, window_bounds = array<i64: 64, 64>}, {pipeline_mode = #tpu.pipeline_mode<synchronous>, transform_indices = @transform_25, window_bounds = array<i64: 1, 64>}, {pipeline_mode = #tpu.pipeline_mode<synchronous>, transform_indices = @transform_26, window_bounds = array<i64: 64, 64>}, {pipeline_mode = #tpu.pipeline_mode<synchronous>, transform_indices = @transform_27, window_bounds = array<i64: 1, 64>}, {pipeline_mode = #tpu.pipeline_mode<synchronous>, transform_indices = @transform_28, window_bounds = array<i64: 1, 64>}, {transform_indices = @transform_29, window_bounds = array<i64: 4>}, {transform_indices = @transform_30, window_bounds = array<i64: 1024, 1>}]} {
    %get3A = arith.constant 0 : index
    %get3A_0 = memref.load %arg30[%get3A] : memref<4xf32, #tpu.memory_space<smem>>
    %get3A_1 = arith.constant 1 : index
    %get3A_2 = memref.load %arg30[%get3A_1] : memref<4xf32, #tpu.memory_space<smem>>
    %get3A_3 = arith.constant 2 : index
    %get3A_4 = memref.load %arg30[%get3A_3] : memref<4xf32, #tpu.memory_space<smem>>
    %get3A_5 = arith.constant 3 : index
    %get3A_6 = memref.load %arg30[%get3A_5] : memref<4xf32, #tpu.memory_space<smem>>
    %get3A_7 = arith.constant 0 : index
    %get3A_8 = arith.constant 0 : index
    %get3A_9 = vector.load %arg21[%get3A_7, %get3A_8] : memref<64x64xf32, #tpu.memory_space<vmem>>, vector<64x64xf32>
    %get3A_10 = arith.constant 0 : index
    %get3A_11 = arith.constant 0 : index
    %get3A_12 = vector.load %arg22[%get3A_10, %get3A_11] : memref<1x64xf32, #tpu.memory_space<vmem>>, vector<1x64xf32>
    %get3A_13 = arith.constant 0 : index
    %get3A_14 = arith.constant 0 : index
    %get3A_15 = vector.load %arg25[%get3A_13, %get3A_14] : memref<64x64xf32, #tpu.memory_space<vmem>>, vector<64x64xf32>
    %get3A_16 = arith.constant 0 : index
    %get3A_17 = arith.constant 0 : index
    %get3A_18 = vector.load %arg26[%get3A_16, %get3A_17] : memref<1x64xf32, #tpu.memory_space<vmem>>, vector<1x64xf32>
    %get3A_19 = arith.constant 0 : index
    %get3A_20 = arith.constant 0 : index
    %get3A_21 = vector.load %arg1[%get3A_19, %get3A_20] : memref<1024x128xf32, #tpu.memory_space<vmem>>, vector<1024x128xf32>
    %get3A_22 = arith.constant 0 : index
    %get3A_23 = arith.constant 0 : index
    %get3A_24 = vector.load %arg7[%get3A_22, %get3A_23] : memref<1024x1xf32, #tpu.memory_space<vmem>>, vector<1024x1xf32>
    %gt3A = arith.constant 5.000000e-01 : f32
    %gt3A_25 = vector.broadcast %gt3A : f32 to vector<1024x1xf32>
    %gt3A_26 = arith.cmpf ogt, %get3A_24, %gt3A_25 : vector<1024x1xf32>
    %slice3A = vector.extract_strided_slice %get3A_21 {offsets = [0, 64], sizes = [1024, 64], strides = [1, 1]} : vector<1024x128xf32> to vector<1024x64xf32>
    %slice3A_27 = vector.extract_strided_slice %get3A_21 {offsets = [0, 0], sizes = [1024, 64], strides = [1, 1]} : vector<1024x128xf32> to vector<1024x64xf32>
    %broadcast_in_dim3A = vector.shape_cast %gt3A_26 : vector<1024x1xi1> to vector<1024x1xi1>
    %broadcast_in_dim3A_28 = vector.broadcast %broadcast_in_dim3A : vector<1024x1xi1> to vector<1024x64xi1>
    %select_n3A = arith.select %broadcast_in_dim3A_28, %slice3A, %slice3A_27 : vector<1024x64xi1>, vector<1024x64xf32>
    %get3A_29 = arith.constant 0 : index
    %get3A_30 = arith.constant 0 : index
    %get3A_31 = vector.load %arg13[%get3A_29, %get3A_30] : memref<1024x1xi32, #tpu.memory_space<vmem>>, vector<1024x1xi32>
    %iota3A = tpu.iota {dimensions = array<i32: 1>} : vector<1024x576xi32>
    %eq3A = vector.broadcast %get3A_31 : vector<1024x1xi32> to vector<1024x576xi32>
    %eq3A_32 = arith.cmpi eq, %iota3A, %eq3A : vector<1024x576xi32>
    %jit3A = arith.constant 1.000000e+00 : f32
    %jit3A_33 = arith.constant 0.000000e+00 : f32
    %broadcast_in_dim3A_34 = vector.broadcast %jit3A : f32 to vector<1024x576xf32>
    %broadcast_in_dim3A_35 = vector.broadcast %jit3A_33 : f32 to vector<1024x576xf32>
    %select_n3A_36 = arith.select %eq3A_32, %broadcast_in_dim3A_34, %broadcast_in_dim3A_35 : vector<1024x576xi1>, vector<1024x576xf32>
    %get3A_37 = arith.constant 0 : index
    %get3A_38 = arith.constant 0 : index
    %get3A_39 = vector.load %arg19[%get3A_37, %get3A_38] : memref<576x64xf32, #tpu.memory_space<vmem>>, vector<576x64xf32>
    %dot_general3A = arith.constant dense<0.000000e+00> : vector<1024x64xf32>
    %dot_general3A_40 = tpu.matmul %select_n3A_36, %get3A_39, %dot_general3A {dimension_numbers = #tpu.dot_dimension_numbers<[1], [0], [0], [1], [0, 0, 1, 1], [], []>, transpose_lhs_hint = false} : vector<1024x576xf32>, vector<576x64xf32>, vector<1024x64xf32> -> vector<1024x64xf32>
    %ge3A = arith.constant 0 : i32
    %ge3A_41 = vector.broadcast %ge3A : i32 to vector<1024x1xi32>
    %ge3A_42 = arith.cmpi sge, %get3A_31, %ge3A_41 : vector<1024x1xi32>
    %broadcast_in_dim3A_43 = vector.shape_cast %ge3A_42 : vector<1024x1xi1> to vector<1024x1xi1>
    %broadcast_in_dim3A_44 = vector.broadcast %broadcast_in_dim3A_43 : vector<1024x1xi1> to vector<1024x64xi1>
    %select_n3A_45 = arith.select %broadcast_in_dim3A_44, %dot_general3A_40, %select_n3A : vector<1024x64xi1>, vector<1024x64xf32>
    %max3A = arith.constant 0.000000e+00 : f32
    %max3A_46 = vector.broadcast %max3A : f32 to vector<1024x64xf32>
    %max3A_47 = arith.maximumf %select_n3A_45, %max3A_46 : vector<1024x64xf32>
    %dot_general3A_48 = arith.constant dense<0.000000e+00> : vector<1024x64xf32>
    %dot_general3A_49 = tpu.matmul %max3A_47, %get3A_9, %dot_general3A_48 {dimension_numbers = #tpu.dot_dimension_numbers<[1], [0], [0], [1], [0, 0, 1, 1], [], []>, transpose_lhs_hint = false} : vector<1024x64xf32>, vector<64x64xf32>, vector<1024x64xf32> -> vector<1024x64xf32>
    %add3A = vector.broadcast %get3A_12 : vector<1x64xf32> to vector<1024x64xf32>
    %add3A_50 = arith.addf %dot_general3A_49, %add3A : vector<1024x64xf32>
    %get3A_51 = arith.constant 0 : index
    %get3A_52 = arith.constant 0 : index
    %get3A_53 = vector.load %arg2[%get3A_51, %get3A_52] : memref<1024x128xf32, #tpu.memory_space<vmem>>, vector<1024x128xf32>
    %get3A_54 = arith.constant 0 : index
    %get3A_55 = arith.constant 0 : index
    %get3A_56 = vector.load %arg8[%get3A_54, %get3A_55] : memref<1024x1xf32, #tpu.memory_space<vmem>>, vector<1024x1xf32>
    %gt3A_57 = arith.constant 5.000000e-01 : f32
    %gt3A_58 = vector.broadcast %gt3A_57 : f32 to vector<1024x1xf32>
    %gt3A_59 = arith.cmpf ogt, %get3A_56, %gt3A_58 : vector<1024x1xf32>
    %slice3A_60 = vector.extract_strided_slice %get3A_53 {offsets = [0, 64], sizes = [1024, 64], strides = [1, 1]} : vector<1024x128xf32> to vector<1024x64xf32>
    %slice3A_61 = vector.extract_strided_slice %get3A_53 {offsets = [0, 0], sizes = [1024, 64], strides = [1, 1]} : vector<1024x128xf32> to vector<1024x64xf32>
    %broadcast_in_dim3A_62 = vector.shape_cast %gt3A_59 : vector<1024x1xi1> to vector<1024x1xi1>
    %broadcast_in_dim3A_63 = vector.broadcast %broadcast_in_dim3A_62 : vector<1024x1xi1> to vector<1024x64xi1>
    %select_n3A_64 = arith.select %broadcast_in_dim3A_63, %slice3A_60, %slice3A_61 : vector<1024x64xi1>, vector<1024x64xf32>
    %get3A_65 = arith.constant 0 : index
    %get3A_66 = arith.constant 0 : index
    %get3A_67 = vector.load %arg14[%get3A_65, %get3A_66] : memref<1024x1xi32, #tpu.memory_space<vmem>>, vector<1024x1xi32>
    %iota3A_68 = tpu.iota {dimensions = array<i32: 1>} : vector<1024x576xi32>
    %eq3A_69 = vector.broadcast %get3A_67 : vector<1024x1xi32> to vector<1024x576xi32>
    %eq3A_70 = arith.cmpi eq, %iota3A_68, %eq3A_69 : vector<1024x576xi32>
    %jit3A_71 = arith.constant 1.000000e+00 : f32
    %jit3A_72 = arith.constant 0.000000e+00 : f32
    %broadcast_in_dim3A_73 = vector.broadcast %jit3A_71 : f32 to vector<1024x576xf32>
    %broadcast_in_dim3A_74 = vector.broadcast %jit3A_72 : f32 to vector<1024x576xf32>
    %select_n3A_75 = arith.select %eq3A_70, %broadcast_in_dim3A_73, %broadcast_in_dim3A_74 : vector<1024x576xi1>, vector<1024x576xf32>
    %get3A_76 = arith.constant 0 : index
    %get3A_77 = arith.constant 0 : index
    %get3A_78 = vector.load %arg19[%get3A_76, %get3A_77] : memref<576x64xf32, #tpu.memory_space<vmem>>, vector<576x64xf32>
    %dot_general3A_79 = arith.constant dense<0.000000e+00> : vector<1024x64xf32>
    %dot_general3A_80 = tpu.matmul %select_n3A_75, %get3A_78, %dot_general3A_79 {dimension_numbers = #tpu.dot_dimension_numbers<[1], [0], [0], [1], [0, 0, 1, 1], [], []>, transpose_lhs_hint = false} : vector<1024x576xf32>, vector<576x64xf32>, vector<1024x64xf32> -> vector<1024x64xf32>
    %ge3A_81 = arith.constant 0 : i32
    %ge3A_82 = vector.broadcast %ge3A_81 : i32 to vector<1024x1xi32>
    %ge3A_83 = arith.cmpi sge, %get3A_67, %ge3A_82 : vector<1024x1xi32>
    %broadcast_in_dim3A_84 = vector.shape_cast %ge3A_83 : vector<1024x1xi1> to vector<1024x1xi1>
    %broadcast_in_dim3A_85 = vector.broadcast %broadcast_in_dim3A_84 : vector<1024x1xi1> to vector<1024x64xi1>
    %select_n3A_86 = arith.select %broadcast_in_dim3A_85, %dot_general3A_80, %select_n3A_64 : vector<1024x64xi1>, vector<1024x64xf32>
    %max3A_87 = arith.constant 0.000000e+00 : f32
    %max3A_88 = vector.broadcast %max3A_87 : f32 to vector<1024x64xf32>
    %max3A_89 = arith.maximumf %select_n3A_86, %max3A_88 : vector<1024x64xf32>
    %dot_general3A_90 = arith.constant dense<0.000000e+00> : vector<1024x64xf32>
    %dot_general3A_91 = tpu.matmul %max3A_89, %get3A_9, %dot_general3A_90 {dimension_numbers = #tpu.dot_dimension_numbers<[1], [0], [0], [1], [0, 0, 1, 1], [], []>, transpose_lhs_hint = false} : vector<1024x64xf32>, vector<64x64xf32>, vector<1024x64xf32> -> vector<1024x64xf32>
    %add3A_92 = vector.broadcast %get3A_12 : vector<1x64xf32> to vector<1024x64xf32>
    %add3A_93 = arith.addf %dot_general3A_91, %add3A_92 : vector<1024x64xf32>
    %get3A_94 = arith.constant 0 : index
    %get3A_95 = arith.constant 0 : index
    %get3A_96 = vector.load %arg3[%get3A_94, %get3A_95] : memref<1024x128xf32, #tpu.memory_space<vmem>>, vector<1024x128xf32>
    %get3A_97 = arith.constant 0 : index
    %get3A_98 = arith.constant 0 : index
    %get3A_99 = vector.load %arg9[%get3A_97, %get3A_98] : memref<1024x1xf32, #tpu.memory_space<vmem>>, vector<1024x1xf32>
    %gt3A_100 = arith.constant 5.000000e-01 : f32
    %gt3A_101 = vector.broadcast %gt3A_100 : f32 to vector<1024x1xf32>
    %gt3A_102 = arith.cmpf ogt, %get3A_99, %gt3A_101 : vector<1024x1xf32>
    %slice3A_103 = vector.extract_strided_slice %get3A_96 {offsets = [0, 64], sizes = [1024, 64], strides = [1, 1]} : vector<1024x128xf32> to vector<1024x64xf32>
    %slice3A_104 = vector.extract_strided_slice %get3A_96 {offsets = [0, 0], sizes = [1024, 64], strides = [1, 1]} : vector<1024x128xf32> to vector<1024x64xf32>
    %broadcast_in_dim3A_105 = vector.shape_cast %gt3A_102 : vector<1024x1xi1> to vector<1024x1xi1>
    %broadcast_in_dim3A_106 = vector.broadcast %broadcast_in_dim3A_105 : vector<1024x1xi1> to vector<1024x64xi1>
    %select_n3A_107 = arith.select %broadcast_in_dim3A_106, %slice3A_103, %slice3A_104 : vector<1024x64xi1>, vector<1024x64xf32>
    %get3A_108 = arith.constant 0 : index
    %get3A_109 = arith.constant 0 : index
    %get3A_110 = vector.load %arg15[%get3A_108, %get3A_109] : memref<1024x1xi32, #tpu.memory_space<vmem>>, vector<1024x1xi32>
    %iota3A_111 = tpu.iota {dimensions = array<i32: 1>} : vector<1024x576xi32>
    %eq3A_112 = vector.broadcast %get3A_110 : vector<1024x1xi32> to vector<1024x576xi32>
    %eq3A_113 = arith.cmpi eq, %iota3A_111, %eq3A_112 : vector<1024x576xi32>
    %jit3A_114 = arith.constant 1.000000e+00 : f32
    %jit3A_115 = arith.constant 0.000000e+00 : f32
    %broadcast_in_dim3A_116 = vector.broadcast %jit3A_114 : f32 to vector<1024x576xf32>
    %broadcast_in_dim3A_117 = vector.broadcast %jit3A_115 : f32 to vector<1024x576xf32>
    %select_n3A_118 = arith.select %eq3A_113, %broadcast_in_dim3A_116, %broadcast_in_dim3A_117 : vector<1024x576xi1>, vector<1024x576xf32>
    %get3A_119 = arith.constant 0 : index
    %get3A_120 = arith.constant 0 : index
    %get3A_121 = vector.load %arg20[%get3A_119, %get3A_120] : memref<576x64xf32, #tpu.memory_space<vmem>>, vector<576x64xf32>
    %dot_general3A_122 = arith.constant dense<0.000000e+00> : vector<1024x64xf32>
    %dot_general3A_123 = tpu.matmul %select_n3A_118, %get3A_121, %dot_general3A_122 {dimension_numbers = #tpu.dot_dimension_numbers<[1], [0], [0], [1], [0, 0, 1, 1], [], []>, transpose_lhs_hint = false} : vector<1024x576xf32>, vector<576x64xf32>, vector<1024x64xf32> -> vector<1024x64xf32>
    %ge3A_124 = arith.constant 0 : i32
    %ge3A_125 = vector.broadcast %ge3A_124 : i32 to vector<1024x1xi32>
    %ge3A_126 = arith.cmpi sge, %get3A_110, %ge3A_125 : vector<1024x1xi32>
    %broadcast_in_dim3A_127 = vector.shape_cast %ge3A_126 : vector<1024x1xi1> to vector<1024x1xi1>
    %broadcast_in_dim3A_128 = vector.broadcast %broadcast_in_dim3A_127 : vector<1024x1xi1> to vector<1024x64xi1>
    %select_n3A_129 = arith.select %broadcast_in_dim3A_128, %dot_general3A_123, %select_n3A_107 : vector<1024x64xi1>, vector<1024x64xf32>
    %max3A_130 = arith.constant 0.000000e+00 : f32
    %max3A_131 = vector.broadcast %max3A_130 : f32 to vector<1024x64xf32>
    %max3A_132 = arith.maximumf %select_n3A_129, %max3A_131 : vector<1024x64xf32>
    %get3A_133 = arith.constant 0 : index
    %get3A_134 = arith.constant 0 : index
    %get3A_135 = vector.load %arg23[%get3A_133, %get3A_134] : memref<64x64xf32, #tpu.memory_space<vmem>>, vector<64x64xf32>
    %dot_general3A_136 = arith.constant dense<0.000000e+00> : vector<1024x64xf32>
    %dot_general3A_137 = tpu.matmul %max3A_132, %get3A_135, %dot_general3A_136 {dimension_numbers = #tpu.dot_dimension_numbers<[1], [0], [0], [1], [0, 0, 1, 1], [], []>, transpose_lhs_hint = false} : vector<1024x64xf32>, vector<64x64xf32>, vector<1024x64xf32> -> vector<1024x64xf32>
    %get3A_138 = arith.constant 0 : index
    %get3A_139 = arith.constant 0 : index
    %get3A_140 = vector.load %arg24[%get3A_138, %get3A_139] : memref<1x64xf32, #tpu.memory_space<vmem>>, vector<1x64xf32>
    %add3A_141 = vector.broadcast %get3A_140 : vector<1x64xf32> to vector<1024x64xf32>
    %add3A_142 = arith.addf %dot_general3A_137, %add3A_141 : vector<1024x64xf32>
    %get3A_143 = arith.constant 0 : index
    %get3A_144 = arith.constant 0 : index
    %get3A_145 = vector.load %arg6[%get3A_143, %get3A_144] : memref<1024x128xf32, #tpu.memory_space<vmem>>, vector<1024x128xf32>
    %get3A_146 = arith.constant 0 : index
    %get3A_147 = arith.constant 0 : index
    %get3A_148 = vector.load %arg12[%get3A_146, %get3A_147] : memref<1024x1xf32, #tpu.memory_space<vmem>>, vector<1024x1xf32>
    %gt3A_149 = arith.constant 5.000000e-01 : f32
    %gt3A_150 = vector.broadcast %gt3A_149 : f32 to vector<1024x1xf32>
    %gt3A_151 = arith.cmpf ogt, %get3A_148, %gt3A_150 : vector<1024x1xf32>
    %slice3A_152 = vector.extract_strided_slice %get3A_145 {offsets = [0, 64], sizes = [1024, 64], strides = [1, 1]} : vector<1024x128xf32> to vector<1024x64xf32>
    %slice3A_153 = vector.extract_strided_slice %get3A_145 {offsets = [0, 0], sizes = [1024, 64], strides = [1, 1]} : vector<1024x128xf32> to vector<1024x64xf32>
    %broadcast_in_dim3A_154 = vector.shape_cast %gt3A_151 : vector<1024x1xi1> to vector<1024x1xi1>
    %broadcast_in_dim3A_155 = vector.broadcast %broadcast_in_dim3A_154 : vector<1024x1xi1> to vector<1024x64xi1>
    %select_n3A_156 = arith.select %broadcast_in_dim3A_155, %slice3A_152, %slice3A_153 : vector<1024x64xi1>, vector<1024x64xf32>
    %get3A_157 = arith.constant 0 : index
    %get3A_158 = arith.constant 0 : index
    %get3A_159 = vector.load %arg18[%get3A_157, %get3A_158] : memref<1024x1xi32, #tpu.memory_space<vmem>>, vector<1024x1xi32>
    %iota3A_160 = tpu.iota {dimensions = array<i32: 1>} : vector<1024x576xi32>
    %eq3A_161 = vector.broadcast %get3A_159 : vector<1024x1xi32> to vector<1024x576xi32>
    %eq3A_162 = arith.cmpi eq, %iota3A_160, %eq3A_161 : vector<1024x576xi32>
    %jit3A_163 = arith.constant 1.000000e+00 : f32
    %jit3A_164 = arith.constant 0.000000e+00 : f32
    %broadcast_in_dim3A_165 = vector.broadcast %jit3A_163 : f32 to vector<1024x576xf32>
    %broadcast_in_dim3A_166 = vector.broadcast %jit3A_164 : f32 to vector<1024x576xf32>
    %select_n3A_167 = arith.select %eq3A_162, %broadcast_in_dim3A_165, %broadcast_in_dim3A_166 : vector<1024x576xi1>, vector<1024x576xf32>
    %get3A_168 = arith.constant 0 : index
    %get3A_169 = arith.constant 0 : index
    %get3A_170 = vector.load %arg19[%get3A_168, %get3A_169] : memref<576x64xf32, #tpu.memory_space<vmem>>, vector<576x64xf32>
    %dot_general3A_171 = arith.constant dense<0.000000e+00> : vector<1024x64xf32>
    %dot_general3A_172 = tpu.matmul %select_n3A_167, %get3A_170, %dot_general3A_171 {dimension_numbers = #tpu.dot_dimension_numbers<[1], [0], [0], [1], [0, 0, 1, 1], [], []>, transpose_lhs_hint = false} : vector<1024x576xf32>, vector<576x64xf32>, vector<1024x64xf32> -> vector<1024x64xf32>
    %ge3A_173 = arith.constant 0 : i32
    %ge3A_174 = vector.broadcast %ge3A_173 : i32 to vector<1024x1xi32>
    %ge3A_175 = arith.cmpi sge, %get3A_159, %ge3A_174 : vector<1024x1xi32>
    %broadcast_in_dim3A_176 = vector.shape_cast %ge3A_175 : vector<1024x1xi1> to vector<1024x1xi1>
    %broadcast_in_dim3A_177 = vector.broadcast %broadcast_in_dim3A_176 : vector<1024x1xi1> to vector<1024x64xi1>
    %select_n3A_178 = arith.select %broadcast_in_dim3A_177, %dot_general3A_172, %select_n3A_156 : vector<1024x64xi1>, vector<1024x64xf32>
    %add3A_179 = vector.broadcast %get3A_0 : f32 to vector<1024x64xf32>
    %add3A_180 = arith.addf %select_n3A_178, %add3A_179 : vector<1024x64xf32>
    %max3A_181 = arith.constant 0.000000e+00 : f32
    %max3A_182 = vector.broadcast %max3A_181 : f32 to vector<1024x64xf32>
    %max3A_183 = arith.maximumf %add3A_180, %max3A_182 : vector<1024x64xf32>
    %dot_general3A_184 = arith.constant dense<0.000000e+00> : vector<1024x64xf32>
    %dot_general3A_185 = tpu.matmul %max3A_183, %get3A_15, %dot_general3A_184 {dimension_numbers = #tpu.dot_dimension_numbers<[1], [0], [0], [1], [0, 0, 1, 1], [], []>, transpose_lhs_hint = false} : vector<1024x64xf32>, vector<64x64xf32>, vector<1024x64xf32> -> vector<1024x64xf32>
    %add3A_186 = vector.broadcast %get3A_18 : vector<1x64xf32> to vector<1024x64xf32>
    %add3A_187 = arith.addf %dot_general3A_185, %add3A_186 : vector<1024x64xf32>
    %get3A_188 = arith.constant 0 : index
    %get3A_189 = arith.constant 0 : index
    %get3A_190 = vector.load %arg5[%get3A_188, %get3A_189] : memref<1024x128xf32, #tpu.memory_space<vmem>>, vector<1024x128xf32>
    %get3A_191 = arith.constant 0 : index
    %get3A_192 = arith.constant 0 : index
    %get3A_193 = vector.load %arg11[%get3A_191, %get3A_192] : memref<1024x1xf32, #tpu.memory_space<vmem>>, vector<1024x1xf32>
    %gt3A_194 = arith.constant 5.000000e-01 : f32
    %gt3A_195 = vector.broadcast %gt3A_194 : f32 to vector<1024x1xf32>
    %gt3A_196 = arith.cmpf ogt, %get3A_193, %gt3A_195 : vector<1024x1xf32>
    %slice3A_197 = vector.extract_strided_slice %get3A_190 {offsets = [0, 64], sizes = [1024, 64], strides = [1, 1]} : vector<1024x128xf32> to vector<1024x64xf32>
    %slice3A_198 = vector.extract_strided_slice %get3A_190 {offsets = [0, 0], sizes = [1024, 64], strides = [1, 1]} : vector<1024x128xf32> to vector<1024x64xf32>
    %broadcast_in_dim3A_199 = vector.shape_cast %gt3A_196 : vector<1024x1xi1> to vector<1024x1xi1>
    %broadcast_in_dim3A_200 = vector.broadcast %broadcast_in_dim3A_199 : vector<1024x1xi1> to vector<1024x64xi1>
    %select_n3A_201 = arith.select %broadcast_in_dim3A_200, %slice3A_197, %slice3A_198 : vector<1024x64xi1>, vector<1024x64xf32>
    %get3A_202 = arith.constant 0 : index
    %get3A_203 = arith.constant 0 : index
    %get3A_204 = vector.load %arg17[%get3A_202, %get3A_203] : memref<1024x1xi32, #tpu.memory_space<vmem>>, vector<1024x1xi32>
    %iota3A_205 = tpu.iota {dimensions = array<i32: 1>} : vector<1024x576xi32>
    %eq3A_206 = vector.broadcast %get3A_204 : vector<1024x1xi32> to vector<1024x576xi32>
    %eq3A_207 = arith.cmpi eq, %iota3A_205, %eq3A_206 : vector<1024x576xi32>
    %jit3A_208 = arith.constant 1.000000e+00 : f32
    %jit3A_209 = arith.constant 0.000000e+00 : f32
    %broadcast_in_dim3A_210 = vector.broadcast %jit3A_208 : f32 to vector<1024x576xf32>
    %broadcast_in_dim3A_211 = vector.broadcast %jit3A_209 : f32 to vector<1024x576xf32>
    %select_n3A_212 = arith.select %eq3A_207, %broadcast_in_dim3A_210, %broadcast_in_dim3A_211 : vector<1024x576xi1>, vector<1024x576xf32>
    %get3A_213 = arith.constant 0 : index
    %get3A_214 = arith.constant 0 : index
    %get3A_215 = vector.load %arg19[%get3A_213, %get3A_214] : memref<576x64xf32, #tpu.memory_space<vmem>>, vector<576x64xf32>
    %dot_general3A_216 = arith.constant dense<0.000000e+00> : vector<1024x64xf32>
    %dot_general3A_217 = tpu.matmul %select_n3A_212, %get3A_215, %dot_general3A_216 {dimension_numbers = #tpu.dot_dimension_numbers<[1], [0], [0], [1], [0, 0, 1, 1], [], []>, transpose_lhs_hint = false} : vector<1024x576xf32>, vector<576x64xf32>, vector<1024x64xf32> -> vector<1024x64xf32>
    %ge3A_218 = arith.constant 0 : i32
    %ge3A_219 = vector.broadcast %ge3A_218 : i32 to vector<1024x1xi32>
    %ge3A_220 = arith.cmpi sge, %get3A_204, %ge3A_219 : vector<1024x1xi32>
    %broadcast_in_dim3A_221 = vector.shape_cast %ge3A_220 : vector<1024x1xi1> to vector<1024x1xi1>
    %broadcast_in_dim3A_222 = vector.broadcast %broadcast_in_dim3A_221 : vector<1024x1xi1> to vector<1024x64xi1>
    %select_n3A_223 = arith.select %broadcast_in_dim3A_222, %dot_general3A_217, %select_n3A_201 : vector<1024x64xi1>, vector<1024x64xf32>
    %add3A_224 = arith.addf %add3A_187, %select_n3A_223 : vector<1024x64xf32>
    %add3A_225 = vector.broadcast %get3A_2 : f32 to vector<1024x64xf32>
    %add3A_226 = arith.addf %add3A_224, %add3A_225 : vector<1024x64xf32>
    %max3A_227 = arith.constant 0.000000e+00 : f32
    %max3A_228 = vector.broadcast %max3A_227 : f32 to vector<1024x64xf32>
    %max3A_229 = arith.maximumf %add3A_226, %max3A_228 : vector<1024x64xf32>
    %dot_general3A_230 = arith.constant dense<0.000000e+00> : vector<1024x64xf32>
    %dot_general3A_231 = tpu.matmul %max3A_229, %get3A_15, %dot_general3A_230 {dimension_numbers = #tpu.dot_dimension_numbers<[1], [0], [0], [1], [0, 0, 1, 1], [], []>, transpose_lhs_hint = false} : vector<1024x64xf32>, vector<64x64xf32>, vector<1024x64xf32> -> vector<1024x64xf32>
    %add3A_232 = vector.broadcast %get3A_18 : vector<1x64xf32> to vector<1024x64xf32>
    %add3A_233 = arith.addf %dot_general3A_231, %add3A_232 : vector<1024x64xf32>
    %get3A_234 = arith.constant 0 : index
    %get3A_235 = arith.constant 0 : index
    %get3A_236 = vector.load %arg4[%get3A_234, %get3A_235] : memref<1024x128xf32, #tpu.memory_space<vmem>>, vector<1024x128xf32>
    %get3A_237 = arith.constant 0 : index
    %get3A_238 = arith.constant 0 : index
    %get3A_239 = vector.load %arg10[%get3A_237, %get3A_238] : memref<1024x1xf32, #tpu.memory_space<vmem>>, vector<1024x1xf32>
    %gt3A_240 = arith.constant 5.000000e-01 : f32
    %gt3A_241 = vector.broadcast %gt3A_240 : f32 to vector<1024x1xf32>
    %gt3A_242 = arith.cmpf ogt, %get3A_239, %gt3A_241 : vector<1024x1xf32>
    %slice3A_243 = vector.extract_strided_slice %get3A_236 {offsets = [0, 64], sizes = [1024, 64], strides = [1, 1]} : vector<1024x128xf32> to vector<1024x64xf32>
    %slice3A_244 = vector.extract_strided_slice %get3A_236 {offsets = [0, 0], sizes = [1024, 64], strides = [1, 1]} : vector<1024x128xf32> to vector<1024x64xf32>
    %broadcast_in_dim3A_245 = vector.shape_cast %gt3A_242 : vector<1024x1xi1> to vector<1024x1xi1>
    %broadcast_in_dim3A_246 = vector.broadcast %broadcast_in_dim3A_245 : vector<1024x1xi1> to vector<1024x64xi1>
    %select_n3A_247 = arith.select %broadcast_in_dim3A_246, %slice3A_243, %slice3A_244 : vector<1024x64xi1>, vector<1024x64xf32>
    %get3A_248 = arith.constant 0 : index
    %get3A_249 = arith.constant 0 : index
    %get3A_250 = vector.load %arg16[%get3A_248, %get3A_249] : memref<1024x1xi32, #tpu.memory_space<vmem>>, vector<1024x1xi32>
    %iota3A_251 = tpu.iota {dimensions = array<i32: 1>} : vector<1024x576xi32>
    %eq3A_252 = vector.broadcast %get3A_250 : vector<1024x1xi32> to vector<1024x576xi32>
    %eq3A_253 = arith.cmpi eq, %iota3A_251, %eq3A_252 : vector<1024x576xi32>
    %jit3A_254 = arith.constant 1.000000e+00 : f32
    %jit3A_255 = arith.constant 0.000000e+00 : f32
    %broadcast_in_dim3A_256 = vector.broadcast %jit3A_254 : f32 to vector<1024x576xf32>
    %broadcast_in_dim3A_257 = vector.broadcast %jit3A_255 : f32 to vector<1024x576xf32>
    %select_n3A_258 = arith.select %eq3A_253, %broadcast_in_dim3A_256, %broadcast_in_dim3A_257 : vector<1024x576xi1>, vector<1024x576xf32>
    %get3A_259 = arith.constant 0 : index
    %get3A_260 = arith.constant 0 : index
    %get3A_261 = vector.load %arg19[%get3A_259, %get3A_260] : memref<576x64xf32, #tpu.memory_space<vmem>>, vector<576x64xf32>
    %dot_general3A_262 = arith.constant dense<0.000000e+00> : vector<1024x64xf32>
    %dot_general3A_263 = tpu.matmul %select_n3A_258, %get3A_261, %dot_general3A_262 {dimension_numbers = #tpu.dot_dimension_numbers<[1], [0], [0], [1], [0, 0, 1, 1], [], []>, transpose_lhs_hint = false} : vector<1024x576xf32>, vector<576x64xf32>, vector<1024x64xf32> -> vector<1024x64xf32>
    %ge3A_264 = arith.constant 0 : i32
    %ge3A_265 = vector.broadcast %ge3A_264 : i32 to vector<1024x1xi32>
    %ge3A_266 = arith.cmpi sge, %get3A_250, %ge3A_265 : vector<1024x1xi32>
    %broadcast_in_dim3A_267 = vector.shape_cast %ge3A_266 : vector<1024x1xi1> to vector<1024x1xi1>
    %broadcast_in_dim3A_268 = vector.broadcast %broadcast_in_dim3A_267 : vector<1024x1xi1> to vector<1024x64xi1>
    %select_n3A_269 = arith.select %broadcast_in_dim3A_268, %dot_general3A_263, %select_n3A_247 : vector<1024x64xi1>, vector<1024x64xf32>
    %add3A_270 = arith.addf %add3A_233, %select_n3A_269 : vector<1024x64xf32>
    %add3A_271 = vector.broadcast %get3A_4 : f32 to vector<1024x64xf32>
    %add3A_272 = arith.addf %add3A_270, %add3A_271 : vector<1024x64xf32>
    %max3A_273 = arith.constant 0.000000e+00 : f32
    %max3A_274 = vector.broadcast %max3A_273 : f32 to vector<1024x64xf32>
    %max3A_275 = arith.maximumf %add3A_272, %max3A_274 : vector<1024x64xf32>
    %dot_general3A_276 = arith.constant dense<0.000000e+00> : vector<1024x64xf32>
    %dot_general3A_277 = tpu.matmul %max3A_275, %get3A_15, %dot_general3A_276 {dimension_numbers = #tpu.dot_dimension_numbers<[1], [0], [0], [1], [0, 0, 1, 1], [], []>, transpose_lhs_hint = false} : vector<1024x64xf32>, vector<64x64xf32>, vector<1024x64xf32> -> vector<1024x64xf32>
    %add3A_278 = vector.broadcast %get3A_18 : vector<1x64xf32> to vector<1024x64xf32>
    %add3A_279 = arith.addf %dot_general3A_277, %add3A_278 : vector<1024x64xf32>
    %add3A_280 = arith.addf %add3A_142, %add3A_279 : vector<1024x64xf32>
    %get3A_281 = arith.constant 0 : index
    %get3A_282 = arith.constant 0 : index
    %get3A_283 = vector.load %arg27[%get3A_281, %get3A_282] : memref<64x64xf32, #tpu.memory_space<vmem>>, vector<64x64xf32>
    %get3A_284 = arith.constant 0 : index
    %get3A_285 = arith.constant 0 : index
    %get3A_286 = vector.load %arg28[%get3A_284, %get3A_285] : memref<1x64xf32, #tpu.memory_space<vmem>>, vector<1x64xf32>
    %get3A_287 = arith.constant 0 : index
    %get3A_288 = arith.constant 0 : index
    %get3A_289 = vector.load %arg29[%get3A_287, %get3A_288] : memref<1x64xf32, #tpu.memory_space<vmem>>, vector<1x64xf32>
    %add3A_290 = arith.addf %add3A_50, %add3A_280 : vector<1024x64xf32>
    %max3A_291 = arith.constant 0.000000e+00 : f32
    %max3A_292 = vector.broadcast %max3A_291 : f32 to vector<1024x64xf32>
    %max3A_293 = arith.maximumf %add3A_290, %max3A_292 : vector<1024x64xf32>
    %dot_general3A_294 = arith.constant dense<0.000000e+00> : vector<1024x64xf32>
    %dot_general3A_295 = tpu.matmul %max3A_293, %get3A_283, %dot_general3A_294 {dimension_numbers = #tpu.dot_dimension_numbers<[1], [0], [0], [1], [0, 0, 1, 1], [], []>, transpose_lhs_hint = false} : vector<1024x64xf32>, vector<64x64xf32>, vector<1024x64xf32> -> vector<1024x64xf32>
    %add3A_296 = vector.broadcast %get3A_286 : vector<1x64xf32> to vector<1024x64xf32>
    %add3A_297 = arith.addf %dot_general3A_295, %add3A_296 : vector<1024x64xf32>
    %max3A_298 = arith.constant 0.000000e+00 : f32
    %max3A_299 = vector.broadcast %max3A_298 : f32 to vector<1024x64xf32>
    %max3A_300 = arith.maximumf %add3A_297, %max3A_299 : vector<1024x64xf32>
    %mul3A = vector.broadcast %get3A_289 : vector<1x64xf32> to vector<1024x64xf32>
    %mul3A_301 = arith.mulf %max3A_300, %mul3A : vector<1024x64xf32>
    %reduce_sum3A = arith.constant dense<0.000000e+00> : vector<1024xf32>
    %reduce_sum3A_302 = vector.multi_reduction <add>, %mul3A_301, %reduce_sum3A [1] : vector<1024x64xf32> to vector<1024xf32>
    %broadcast_in_dim3A_303 = vector.shape_cast %reduce_sum3A_302 : vector<1024xf32> to vector<1024x1xf32>
    %add3A_304 = vector.broadcast %get3A_6 : f32 to vector<1024x1xf32>
    %add3A_305 = arith.addf %broadcast_in_dim3A_303, %add3A_304 : vector<1024x1xf32>
    %logistic3A = arith.negf %add3A_305 : vector<1024x1xf32>
    %logistic3A_306 = math.exp %logistic3A : vector<1024x1xf32>
    %logistic3A_307 = arith.constant 1.000000e+00 : f32
    %logistic3A_308 = vector.broadcast %logistic3A_307 : f32 to vector<1024x1xf32>
    %logistic3A_309 = arith.addf %logistic3A_308, %logistic3A_306 : vector<1024x1xf32>
    %logistic3A_310 = arith.divf %logistic3A_308, %logistic3A_309 : vector<1024x1xf32>
    %add3A_311 = arith.addf %add3A_93, %add3A_280 : vector<1024x64xf32>
    %max3A_312 = arith.constant 0.000000e+00 : f32
    %max3A_313 = vector.broadcast %max3A_312 : f32 to vector<1024x64xf32>
    %max3A_314 = arith.maximumf %add3A_311, %max3A_313 : vector<1024x64xf32>
    %dot_general3A_315 = arith.constant dense<0.000000e+00> : vector<1024x64xf32>
    %dot_general3A_316 = tpu.matmul %max3A_314, %get3A_283, %dot_general3A_315 {dimension_numbers = #tpu.dot_dimension_numbers<[1], [0], [0], [1], [0, 0, 1, 1], [], []>, transpose_lhs_hint = false} : vector<1024x64xf32>, vector<64x64xf32>, vector<1024x64xf32> -> vector<1024x64xf32>
    %add3A_317 = vector.broadcast %get3A_286 : vector<1x64xf32> to vector<1024x64xf32>
    %add3A_318 = arith.addf %dot_general3A_316, %add3A_317 : vector<1024x64xf32>
    %max3A_319 = arith.constant 0.000000e+00 : f32
    %max3A_320 = vector.broadcast %max3A_319 : f32 to vector<1024x64xf32>
    %max3A_321 = arith.maximumf %add3A_318, %max3A_320 : vector<1024x64xf32>
    %mul3A_322 = vector.broadcast %get3A_289 : vector<1x64xf32> to vector<1024x64xf32>
    %mul3A_323 = arith.mulf %max3A_321, %mul3A_322 : vector<1024x64xf32>
    %reduce_sum3A_324 = arith.constant dense<0.000000e+00> : vector<1024xf32>
    %reduce_sum3A_325 = vector.multi_reduction <add>, %mul3A_323, %reduce_sum3A_324 [1] : vector<1024x64xf32> to vector<1024xf32>
    %broadcast_in_dim3A_326 = vector.shape_cast %reduce_sum3A_325 : vector<1024xf32> to vector<1024x1xf32>
    %add3A_327 = vector.broadcast %get3A_6 : f32 to vector<1024x1xf32>
    %add3A_328 = arith.addf %broadcast_in_dim3A_326, %add3A_327 : vector<1024x1xf32>
    %logistic3A_329 = arith.negf %add3A_328 : vector<1024x1xf32>
    %logistic3A_330 = math.exp %logistic3A_329 : vector<1024x1xf32>
    %logistic3A_331 = arith.constant 1.000000e+00 : f32
    %logistic3A_332 = vector.broadcast %logistic3A_331 : f32 to vector<1024x1xf32>
    %logistic3A_333 = arith.addf %logistic3A_332, %logistic3A_330 : vector<1024x1xf32>
    %logistic3A_334 = arith.divf %logistic3A_332, %logistic3A_333 : vector<1024x1xf32>
    %sub3A = arith.subf %logistic3A_310, %logistic3A_334 : vector<1024x1xf32>
    %swap3A = arith.constant 0 : index
    %swap3A_335 = arith.constant 0 : index
    %swap3A_336 = vector.load %arg31[%swap3A, %swap3A_335] : memref<1024x1xf32, #tpu.memory_space<vmem>>, vector<1024x1xf32>
    tpu.vector_store %arg31[%swap3A, %swap3A_335], %sub3A {strides = array<i32>} : memref<1024x1xf32, #tpu.memory_space<vmem>>, vector<1024x1xf32>,
    return
  }
  func.func @transform_0(%arg0: i32) -> (i32, i32) {
    %c0_i32 = arith.constant 0 : i32
    %c0_i32_0 = arith.constant 0 : i32
    return %arg0, %c0_i32 : i32, i32
  }
  func.func @transform_1(%arg0: i32) -> (i32, i32) {
    %c0_i32 = arith.constant 0 : i32
    %c0_i32_0 = arith.constant 0 : i32
    return %arg0, %c0_i32 : i32, i32
  }
  func.func @transform_2(%arg0: i32) -> (i32, i32) {
    %c0_i32 = arith.constant 0 : i32
    %c0_i32_0 = arith.constant 0 : i32
    return %arg0, %c0_i32 : i32, i32
  }
  func.func @transform_3(%arg0: i32) -> (i32, i32) {
    %c0_i32 = arith.constant 0 : i32
    %c0_i32_0 = arith.constant 0 : i32
    return %arg0, %c0_i32 : i32, i32
  }
  func.func @transform_4(%arg0: i32) -> (i32, i32) {
    %c0_i32 = arith.constant 0 : i32
    %c0_i32_0 = arith.constant 0 : i32
    return %arg0, %c0_i32 : i32, i32
  }
  func.func @transform_5(%arg0: i32) -> (i32, i32) {
    %c0_i32 = arith.constant 0 : i32
    %c0_i32_0 = arith.constant 0 : i32
    return %arg0, %c0_i32 : i32, i32
  }
  func.func @transform_6(%arg0: i32) -> (i32, i32) {
    %c0_i32 = arith.constant 0 : i32
    %c0_i32_0 = arith.constant 0 : i32
    return %arg0, %c0_i32 : i32, i32
  }
  func.func @transform_7(%arg0: i32) -> (i32, i32) {
    %c0_i32 = arith.constant 0 : i32
    %c0_i32_0 = arith.constant 0 : i32
    return %arg0, %c0_i32 : i32, i32
  }
  func.func @transform_8(%arg0: i32) -> (i32, i32) {
    %c0_i32 = arith.constant 0 : i32
    %c0_i32_0 = arith.constant 0 : i32
    return %arg0, %c0_i32 : i32, i32
  }
  func.func @transform_9(%arg0: i32) -> (i32, i32) {
    %c0_i32 = arith.constant 0 : i32
    %c0_i32_0 = arith.constant 0 : i32
    return %arg0, %c0_i32 : i32, i32
  }
  func.func @transform_10(%arg0: i32) -> (i32, i32) {
    %c0_i32 = arith.constant 0 : i32
    %c0_i32_0 = arith.constant 0 : i32
    return %arg0, %c0_i32 : i32, i32
  }
  func.func @transform_11(%arg0: i32) -> (i32, i32) {
    %c0_i32 = arith.constant 0 : i32
    %c0_i32_0 = arith.constant 0 : i32
    return %arg0, %c0_i32 : i32, i32
  }
  func.func @transform_12(%arg0: i32) -> (i32, i32) {
    %c0_i32 = arith.constant 0 : i32
    %c0_i32_0 = arith.constant 0 : i32
    return %arg0, %c0_i32 : i32, i32
  }
  func.func @transform_13(%arg0: i32) -> (i32, i32) {
    %c0_i32 = arith.constant 0 : i32
    %c0_i32_0 = arith.constant 0 : i32
    return %arg0, %c0_i32 : i32, i32
  }
  func.func @transform_14(%arg0: i32) -> (i32, i32) {
    %c0_i32 = arith.constant 0 : i32
    %c0_i32_0 = arith.constant 0 : i32
    return %arg0, %c0_i32 : i32, i32
  }
  func.func @transform_15(%arg0: i32) -> (i32, i32) {
    %c0_i32 = arith.constant 0 : i32
    %c0_i32_0 = arith.constant 0 : i32
    return %arg0, %c0_i32 : i32, i32
  }
  func.func @transform_16(%arg0: i32) -> (i32, i32) {
    %c0_i32 = arith.constant 0 : i32
    %c0_i32_0 = arith.constant 0 : i32
    return %arg0, %c0_i32 : i32, i32
  }
  func.func @transform_17(%arg0: i32) -> (i32, i32) {
    %c0_i32 = arith.constant 0 : i32
    %c0_i32_0 = arith.constant 0 : i32
    return %arg0, %c0_i32 : i32, i32
  }
  func.func @transform_18(%arg0: i32) -> (i32, i32) {
    %c0_i32 = arith.constant 0 : i32
    %c0_i32_0 = arith.constant 0 : i32
    %c0_i32_1 = arith.constant 0 : i32
    return %c0_i32, %c0_i32_0 : i32, i32
  }
  func.func @transform_19(%arg0: i32) -> (i32, i32) {
    %c0_i32 = arith.constant 0 : i32
    %c0_i32_0 = arith.constant 0 : i32
    %c0_i32_1 = arith.constant 0 : i32
    return %c0_i32, %c0_i32_0 : i32, i32
  }
  func.func @transform_20(%arg0: i32) -> (i32, i32) {
    %c0_i32 = arith.constant 0 : i32
    %c0_i32_0 = arith.constant 0 : i32
    %c0_i32_1 = arith.constant 0 : i32
    return %c0_i32, %c0_i32_0 : i32, i32
  }
  func.func @transform_21(%arg0: i32) -> (i32, i32) {
    %c0_i32 = arith.constant 0 : i32
    %c0_i32_0 = arith.constant 0 : i32
    %c0_i32_1 = arith.constant 0 : i32
    return %c0_i32, %c0_i32_0 : i32, i32
  }
  func.func @transform_22(%arg0: i32) -> (i32, i32) {
    %c0_i32 = arith.constant 0 : i32
    %c0_i32_0 = arith.constant 0 : i32
    %c0_i32_1 = arith.constant 0 : i32
    return %c0_i32, %c0_i32_0 : i32, i32
  }
  func.func @transform_23(%arg0: i32) -> (i32, i32) {
    %c0_i32 = arith.constant 0 : i32
    %c0_i32_0 = arith.constant 0 : i32
    %c0_i32_1 = arith.constant 0 : i32
    return %c0_i32, %c0_i32_0 : i32, i32
  }
  func.func @transform_24(%arg0: i32) -> (i32, i32) {
    %c0_i32 = arith.constant 0 : i32
    %c0_i32_0 = arith.constant 0 : i32
    %c0_i32_1 = arith.constant 0 : i32
    return %c0_i32, %c0_i32_0 : i32, i32
  }
  func.func @transform_25(%arg0: i32) -> (i32, i32) {
    %c0_i32 = arith.constant 0 : i32
    %c0_i32_0 = arith.constant 0 : i32
    %c0_i32_1 = arith.constant 0 : i32
    return %c0_i32, %c0_i32_0 : i32, i32
  }
  func.func @transform_26(%arg0: i32) -> (i32, i32) {
    %c0_i32 = arith.constant 0 : i32
    %c0_i32_0 = arith.constant 0 : i32
    %c0_i32_1 = arith.constant 0 : i32
    return %c0_i32, %c0_i32_0 : i32, i32
  }
  func.func @transform_27(%arg0: i32) -> (i32, i32) {
    %c0_i32 = arith.constant 0 : i32
    %c0_i32_0 = arith.constant 0 : i32
    %c0_i32_1 = arith.constant 0 : i32
    return %c0_i32, %c0_i32_0 : i32, i32
  }
  func.func @transform_28(%arg0: i32) -> (i32, i32) {
    %c0_i32 = arith.constant 0 : i32
    %c0_i32_0 = arith.constant 0 : i32
    %c0_i32_1 = arith.constant 0 : i32
    return %c0_i32, %c0_i32_0 : i32, i32
  }
  func.func @transform_29(%arg0: i32) -> i32 {
    %c0_i32 = arith.constant 0 : i32
    %c0_i32_0 = arith.constant 0 : i32
    return %c0_i32 : i32
  }
  func.func @transform_30(%arg0: i32) -> (i32, i32) {
    %c0_i32 = arith.constant 0 : i32
    %c0_i32_0 = arith.constant 0 : i32
    return %arg0, %c0_i32 : i32, i32
  }
}

</mosaic_0001>

<sc_bundles>
// kernel: sc_item_gather.3.cloned.1.call-start
scs
__scs_entry_jumppad:
0x0: {  	(pc) =	sbr.rel $0x88, $3  }
0x1: {  	(tag) =	ssettag $0x0;
	lr =	simm.s32 $0x1  }
0x2: {  	[smem:$0x3F8C] =	sst lr;
	_ =	strace $0xD0000000  }
0x3: {  	_ = 	snop  }
0x4: {  	_ = 	snop  }
0x5: {  	_ = 	snop  }
0x6: {  	_ = 	snop  }
0x7: {  	_ = 	snop  }
__scs_overlays_trampoline_lowered:
0x8: {  	[smem:$0x3F9B] =	sst s0  }
0x9: {  	[smem:$0x3F9C] =	sst s1  }
0xa: {  	[smem:$0x3F9D] =	sst s2  }
0xb: {  	[smem:$0x3F9E] =	sst s3  }
0xc: {  	[smem:$0x3F9F] =	sst s4  }
0xd: {  	[smem:$0x3FA0] =	sst s5  }
0xe: {  	[smem:$0x3FA1] =	sst s6  }
0xf: {  	[smem:$0x3FA2] =	sst s7  }
0x10: {  	[smem:$0x3FA3] =	sst s8  }
0x11: {  	[smem:$0x3FA4] =	sst s9;
	s0 =	simm.s32 @!p0 $0x0  }
0x12: {  	s1 =	sld [smem:$0x3F8A];
	s0 =	simm.s32 @p0 $0x1  }
0x13: {  	[smem:$0x3FA5] =	sst s0;
	s0 =	simm.s32 @!p1 $0x0  }
0x14: {  	s2 =	sld [smem:$0x3F89];
	s0 =	simm.s32 @p1 $0x1  }
0x15: {  	[smem:$0x3FA6] =	sst s0;
	s0 =	simm.s32 @!p2 $0x0  }
0x16: {  	s3 =	sld [smem:$0x3FDB];
	s0 =	simm.s32 @p2 $0x1  }
0x17: {  	s4 =	simm.s32 $0x1BF5;
	[smem:$0x3FA8] =	sst s0  }
0x18: {  	s0 =	sld [smem:$0x3F8B];
	_ =	swait.ge [sflag:s4], $0x0  }
0x19: {  	s7 =	sld [smem:$0x3F8C]  }
0x1a: {  	s8 =	sadd.s32 $0xFFFFE003, lr  }
0x1b: {  	s9 =	sadd.s32 $0xFFFFFEF7, lr;
	s5 =	simm.s32 $0xFFFFFFFF;
	p2 =	slt.u32 s8, $0xFFFFF086  }
0x1c: {  	p1 =	slt.u32 s9, $0xF7A;
	s5 =	simm.s32 @!p2 $0x0  }
0x1d: {  	s5 =	simm.s32 @p1 $0x1;
	p0 =	seq.s32 s7, s2  }
0x1e: {  	s7 =	smul.u32 @!p0 $0xF7A, s2;
	p2 =	seq.s32 @!p0 s5, $0x0  }
0x1f: {  	s9 =	smul.u32 $0xF7A, s1;
	s8 =	simm.s32 @!p0 $0x1BF5;
	p2 =	por !p2, p0  }
0x20: {  	[sflag:s8] =	ssyncset.s32 @!p0 $0xFFFFF086;
	s6 =	sadd.s32 @!p0 s3, s7;
	s7 =	simm.s32 @!p0 $0x108  }
0x21: {  	s3 =	sadd.s32 s3, s9;
	s6 =	sadd.s32 @!p0 $0x88, s6;
	s7 =	simm.s32 @p2 $0x1082  }
0x22: {  	[simem:s7], [sflag:s8] =	dma.local @!p0 [hbm:s6], $0xF7A  }
0x23: {  	s9 =	sor.u32 $0xD0000000, s2;
	s6 =	simm.s32 $0x108;
	_ =	swait.ge @!p0 [sflag:s8], $0x0  }
0x24: {  	s3 =	sadd.s32 $0x88, s3;
	s6 =	simm.s32 @!p1 $0x1082;
	[sflag:s4] =	ssyncset.s32 $0xFFFFF086  }
0x25: {  	[simem:s6], [sflag:s4] =	dma.local [hbm:s3], $0xF7A  }
0x26: {  	[smem:$0x3F8C] =	sst s1;
	(tag) =	ssettag s2;
	_ =	strace s9  }
0x27: {  	s1 =	sld [smem:$0x3F9C]  }
0x28: {  	s2 =	sld [smem:$0x3F9D]  }
0x29: {  	s4 =	sld [smem:$0x3F9F]  }
0x2a: {  	p0 =	seq.s32 s5, $0x0;
	s5 =	sld [smem:$0x3FA0]  }
0x2b: {  	s6 =	sld [smem:$0x3FA1]  }
0x2c: {  	s7 =	sld [smem:$0x3FA2]  }
0x2d: {  	s3 =	simm.s32 $0x108;
	s8 =	sld [smem:$0x3FA3]  }
0x2e: {  	s3 =	simm.s32 @!p0 $0x1082;
	s9 =	sld [smem:$0x3FA4]  }
0x2f: {  	lr =	sadd.s32 s0, s3;
	s0 =	sld [smem:$0x3F9B]  }
0x30: {  	s3 =	sld [smem:$0x3F9E]  }
0x31: {  	[smem:$0x3FA7] =	sst s10  }
0x32: {  	s10 =	sld [smem:$0x3FA5];
	_ =	sdelay $0x3  }
0x33: {  	p0 =	seq.s32 s10, $0x1;
	s10 =	sld [smem:$0x3FA7];
	_ =	sdelay $0x3  }
0x34: {  	[smem:$0x3FA7] =	sst s10  }
0x35: {  	s10 =	sld [smem:$0x3FA6];
	_ =	sdelay $0x3  }
0x36: {  	p1 =	seq.s32 s10, $0x1;
	s10 =	sld [smem:$0x3FA7];
	_ =	sdelay $0x3  }
0x37: {  	[smem:$0x3FA7] =	sst s10  }
0x38: {  	s10 =	sld [smem:$0x3FA8]  }
0x39: {  	_ = 	snop;
	(pc) =	sbr.ind lr, $3  }
0x3a: {  	_ = 	snop  }
0x3b: {  	_ = 	snop  }
0x3c: {  	p2 =	seq.s32 s10, $0x1;
	s10 =	sld [smem:$0x3FA7]  }
0x3d: {  	_ =	shalt  }
0x3e: {  	_ =	shalt  }
0x3f: {  	_ =	shalt  }
0x40: {  	_ =	shalt  }
0x41: {  	_ =	shalt  }
0x42: {  	_ =	shalt  }
0x43: {  	_ =	shalt  }
0x44: {  	_ =	shalt  }
0x45: {  	_ =	shalt  }
0x46: {  	_ =	shalt  }
0x47: {  	_ =	shalt  }
0x48: {  	_ =	shalt  }
0x49: {  	_ =	shalt  }
0x4a: {  	_ =	shalt  }
0x4b: {  	_ =	shalt  }
0x4c: {  	_ =	shalt  }
0x4d: {  	_ =	shalt  }
0x4e: {  	_ =	shalt  }
0x4f: {  	_ =	shalt  }
0x50: {  	_ =	shalt  }
0x51: {  	_ =	shalt  }
0x52: {  	_ =	shalt  }
0x53: {  	_ =	shalt  }
0x54: {  	_ =	shalt  }
0x55: {  	_ =	shalt  }
0x56: {  	_ =	shalt  }
0x57: {  	_ =	shalt  }
0x58: {  	_ =	shalt  }
0x59: {  	_ =	shalt  }
0x5a: {  	_ =	shalt  }
0x5b: {  	_ =	shalt  }
0x5c: {  	_ =	shalt  }
0x5d: {  	_ =	shalt  }
0x5e: {  	_ =	shalt  }
0x5f: {  	_ =	shalt  }
0x60: {  	_ =	shalt  }
0x61: {  	_ =	shalt  }
0x62: {  	_ =	shalt  }
0x63: {  	_ =	shalt  }
0x64: {  	_ =	shalt  }
0x65: {  	_ =	shalt  }
0x66: {  	_ =	shalt  }
0x67: {  	_ =	shalt  }
0x68: {  	_ =	shalt  }
0x69: {  	_ =	shalt  }
0x6a: {  	_ =	shalt  }
0x6b: {  	_ =	shalt  }
0x6c: {  	_ =	shalt  }
0x6d: {  	_ =	shalt  }
0x6e: {  	_ =	shalt  }
0x6f: {  	_ =	shalt  }
0x70: {  	_ =	shalt  }
0x71: {  	_ =	shalt  }
0x72: {  	_ =	shalt  }
0x73: {  	_ =	shalt  }
0x74: {  	_ =	shalt  }
0x75: {  	_ =	shalt  }
0x76: {  	_ =	shalt  }
0x77: {  	_ =	shalt  }
0x78: {  	_ =	shalt  }
0x79: {  	_ =	shalt  }
0x7a: {  	_ =	shalt  }
0x7b: {  	_ =	shalt  }
0x7c: {  	_ =	shalt  }
0x7d: {  	_ =	shalt  }
0x7e: {  	_ =	shalt  }
0x7f: {  	_ =	shalt  }
0x80: {  	_ =	shalt  }
0x81: {  	_ =	shalt  }
0x82: {  	_ =	shalt  }
0x83: {  	_ =	shalt  }
0x84: {  	_ =	shalt  }
0x85: {  	_ =	shalt  }
0x86: {  	_ =	shalt  }
0x87: {  	_ =	shalt  }
.Lfunc_end0:
.L_simem_size_0:
called_computation_lowered:
.L_overlay_start_0:
0x88: {  	s2 =	sld [smem:$0x3FD9]  }
0x89: {  	s3 =	sld [smem:$0x3FFE];
	_ =	sdelay $0x1  }
0x8a: {  	s1 =	srdreg.scid  }
0x8b: {  	s0 =	sand.u32 $0x1, s1  }
0x8c: {  	s16 =	sshll.u32 s0, $0xA;
	s2 =	sadd.s32 s3, s2  }
0x8d: {  	s2 =	sadd.s32 s2, s16  }
0x8e: {  	[smem:$0x3FB3] =	sst s2  }
0x8f: {  	_ = 	snop  }
0x90: {  	(tm) =	ssettm $0x1  }
0x91: {  	s17 =	sld [smem:$0x3FFB];
	_ =	sdelay $0x3  }
0x92: {  	_ =	strace s17  }
0x93: {  	s2 =	sld [smem:$0x3FFC];
	_ =	sdelay $0x3  }
0x94: {  	_ =	strace s2  }
0x95: {  	s2 =	sld [smem:$0x3FFD];
	_ =	sdelay $0x3  }
0x96: {  	_ =	strace s2  }
0x97: {  	_ =	strace $0x8FFFFFFF  }
0x98: {  	s18 =	sld [smem:$0x3FDB];
	_ =	sdelay $0x1  }
0x99: {  	s19 =	simm.s32 $_scs_section_size  }
0x9a: {  	s4 =	simm.s32 $_size__tile_overlayer_lowered;
	s5 =	simm.s32 $_tile_overlayer_lowered  }
0x9b: {  	s22 =	simm.s32 $0x1BFF;
	s21 =	sshll.u32 s5, $0x1;
	s2 =	sadd.s32 s19, s18  }
0x9c: {  	s6 =	simm.s32 $0x0;
	s20 =	sshll.u32 s4, $0x1;
	s4 =	sadd.s32 s21, s2  }
0x9d: {  	[timem:s6], [sflag:s22] =	dma.local [hbm:s4], s20  }
0x9e: {  	_ =	swait.ge [sflag:s22], s20  }
0x9f: {  	s3 =	ssub.s32 $0x0, s20;
	[sflag:s22] =	ssyncset.done $0x0  }
0xa0: {  	[sflag:s22] =	ssyncadd.s32 s3;
	_ =	sdelay $0x1  }
0xa1: {  	s23 =	simm.s32 $0x1B8B  }
0xa2: {  	_ =	swait.ge [sflag:s23], $0x1  }
0xa3: {  	[sflag:s23] =	ssyncset.done $0x0  }
0xa4: {  	s25 =	simm.s32 $0x1B8E;
	s24 =	sld [smem:$0x3FFE];
	[sflag:s23] =	ssyncadd.s32 $0xFFFFFFFF  }
0xa5: {  	s26 =	simm.s32 $execute0_lowered;
	[smem:$0x3FD2] =	sst s25  }
0xa6: {  	s4 =	sshll.u32 s26, $0x1;
	_ =	strace $0x80000046;
	[dreg:$0x1] =	wrdreg $0xFFFFFFFF  }
0xa7: {  	s28 =	simm.s32 $_size_execute0_lowered;
	s2 =	sadd.s32 s2, s4;
	[dreg:$0x0] =	wrdreg $0x0  }
0xa8: {  	s4 =	sshll.u32 s28, $0x1;
	[dreg:$0x2] =	wrdreg s2  }
0xa9: {  	[dreg:$0x3] =	wrdreg s4  }
0xaa: {  	[dreg:$0x4] =	wrdreg $0xC0  }
0xab: {  	_ =	task [dreg:s6], $0x5FFFF  }
0xac: {  	[dreg:$0x1] =	wrdreg $0xFFFFFFFF  }
0xad: {  	[dreg:$0x0] =	wrdreg $0x60  }
0xae: {  	[dreg:$0x2] =	wrdreg s24  }
0xaf: {  	[dreg:$0x3] =	wrdreg $0x9  }
0xb0: {  	_ =	task.clear_ibuf [dreg:s6], $0x4FFFF;
	_ =	strace $0x90000046  }
0xb1: {  	s29 =	simm.s32 $0x9;
	_ =	strace $0x80000048  }
0xb2: {  	_ =	swait.ge [sflag:s29], $0x1  }
0xb3: {  	[sflag:s29] =	ssyncadd.s32 $0xFFFFFFFF  }
0xb4: {  	_ =	strace $0x90000048  }
0xb5: {  	_ =	sfence  }
0xb6: {  	s30 =	sld [smem:$0x0];
	_ =	sdelay $0x2  }
0xb7: {  	s31 =	sshll.u32 s1, $0xD;
	s1 =	sshrl.u32 s1, $0x2  }
0xb8: {  	s3 =	sand.u32 $0x4000, s31;
	s1 =	sadd.s32 s1, s30  }
0xb9: {  	s0 =	sor.u32 s3, s0;
	s1 =	sshll.u32 s1, $0x11  }
0xba: {  	s0 =	sor.u32 s1, s0  }
0xbb: {  	s0 =	sadd.s32 $0x8F2B, s0  }
0xbc: {  	[sflag:s0] =	ssyncadd.remote.s32 $0x1  }
0xbd: {  	_ =	sfence.sel $0xFFFF  }
0xbe: {  	[dreg:$0x0] =	wrdreg $0xFFFFFFFF;
	(pc) =	sbr.abs _section_cstart, $3  }
0xbf: {  	[dreg:$0x1] =	wrdreg $0xFFFFFFFF  }
0xc0: {  	_ =	task.clear_ibuf [dreg:s6], $0x2FFFF;
	_ =	strace $0x9FFFFFFF  }
0xc1: {  	(tm) =	ssettm $0x7FFFFFFF  }
tec
execute0_lowered:
.L_overlay_start_1:
0x0: {  	(tag) =	ssettag $0x1  }
0x1: {  	s1 =	srdreg.scid  }
0x2: {  	s0 =	stileid.u32;
	s22 =	sand.u32 $0x1, s1  }
0x3: {  	s30 =	sshll.u32 s0, $0xA;
	s2 =	sshll.u32 s22, $0x9  }
0x4: {  	s14 =	rddreg [dreg:$0x0];
	s15 =	sor.u32 s2, s30  }
0x5: {  	s1 =	rddreg [dreg:$0x1];
	s2 =	simm.s32 $0x0;
	s3 =	sshrl.u32 s15, $0x3  }
0x6: {  	[smem:$0x7FF] =	sst s2;
	s21 =	sadd.s32 s3, s14  }
0x7: {  	_ =	strace $0x80000047;
	s3 =	simm.s32 $0x2;
	s4 =	sadd.s32 $0x4600, s21  }
0x8: {  	[tilespmem:s2], [sflag:$0x2] =	stream.linear.gather [hbm4b:s4+s2], $0x200, $0x38;
	[tilespmem:$0x10200] =	vst v63  }
0x9: {  	_ =	swait.ge [sflag:s3], $0x200  }
0xa: {  	s6 =	simm.s32 $0x80;
	[sflag:s3] =	ssyncset.done $0x0  }
0xb: {  	s7 =	simm.s32 $0x200;
	s5 =	sadd.s32 $0x8E00, s14;
	[sflag:s3] =	ssyncadd.s32 $0xFFFFFE00  }
0xc: {  	[tilespmem:s7], [sflag:$0x1] =	stream.indirect.gather [hbm4b:s5+s6], $0x80, s2, s6, $0xb8;
	[tilespmem:$0x10200] =	vst v63  }
0xd: {  	s8 =	simm.s32 $0x4200  }
0xe: {  	[tilespmem:s8], [sflag:$0x1] =	stream.indirect.gather [hbm4b:s5+s6], $0x80, s6, s6, $0xb8;
	[tilespmem:$0x10200] =	vst v63  }
0xf: {  	s9 =	simm.s32 $0x100;
	s10 =	simm.s32 $0x8200  }
0x10: {  	[tilespmem:s10], [sflag:$0x1] =	stream.indirect.gather [hbm4b:s5+s6], $0x80, s9, s6, $0xb8;
	[tilespmem:$0x10200] =	vst v63  }
0x11: {  	s11 =	simm.s32 $0x180;
	s12 =	simm.s32 $0xC200;
	s13 =	simm.s32 $0x1  }
0x12: {  	[tilespmem:s12], [sflag:$0x1] =	stream.indirect.gather [hbm4b:s5+s6], $0x80, s11, s6, $0xb8;
	[tilespmem:$0x10200] =	vst v63  }
0x13: {  	_ =	swait.ge [sflag:s13], $0x4000  }
0x14: {  	[sflag:s13] =	ssyncset.done $0x0  }
0x15: {  	[sflag:s13] =	ssyncadd.s32 $0xFFFFC000  }
0x16: {  	_ =	swait.ge [sflag:s13], $0x4000  }
0x17: {  	[sflag:s13] =	ssyncset.done $0x0  }
0x18: {  	[sflag:s13] =	ssyncadd.s32 $0xFFFFC000  }
0x19: {  	_ =	swait.ge [sflag:s13], $0x4000  }
0x1a: {  	[sflag:s13] =	ssyncset.done $0x0  }
0x1b: {  	[sflag:s13] =	ssyncadd.s32 $0xFFFFC000  }
0x1c: {  	s15 =	sshll.u32 s15, $0x4;
	_ =	swait.ge [sflag:s13], $0x4000  }
0x1d: {  	s23 =	sadd.s32 s15, s14;
	[sflag:s13] =	ssyncset.done $0x0  }
0x1e: {  	s14 =	sadd.s32 $0x7B0E00, s23;
	[sflag:s13] =	ssyncadd.s32 $0xFFFFC000  }
0x1f: {  	[hbm4b:s14+s2] =	stream.linear.scatter [tilespmem:s7], [sflag:$0x2], $0x10000, $0x38;
	[tilespmem:$0x10200] =	vst v63  }
0x20: {  	_ =	swait.ge [sflag:s3], $0x10000  }
0x21: {  	[sflag:s3] =	ssyncset.done $0x0  }
0x22: {  	s15 =	sadd.s32 $0x5600, s21;
	[sflag:s3] =	ssyncadd.s32 $0xFFFF0000  }
0x23: {  	[tilespmem:s2], [sflag:$0x2] =	stream.linear.gather [hbm4b:s15+s2], $0x200, $0x38;
	[tilespmem:$0x10200] =	vst v63  }
0x24: {  	_ =	swait.ge [sflag:s3], $0x200  }
0x25: {  	[sflag:s3] =	ssyncset.done $0x0  }
0x26: {  	[sflag:s3] =	ssyncadd.s32 $0xFFFFFE00  }
0x27: {  	[tilespmem:s7], [sflag:$0x1] =	stream.indirect.gather [hbm4b:s5+s6], $0x80, s2, s6, $0xb8;
	[tilespmem:$0x10200] =	vst v63  }
0x28: {  	_ = 	snop  }
0x29: {  	[tilespmem:s8], [sflag:$0x1] =	stream.indirect.gather [hbm4b:s5+s6], $0x80, s6, s6, $0xb8;
	[tilespmem:$0x10200] =	vst v63  }
0x2a: {  	_ = 	snop  }
0x2b: {  	[tilespmem:s10], [sflag:$0x1] =	stream.indirect.gather [hbm4b:s5+s6], $0x80, s9, s6, $0xb8;
	[tilespmem:$0x10200] =	vst v63  }
0x2c: {  	_ = 	snop  }
0x2d: {  	[tilespmem:s12], [sflag:$0x1] =	stream.indirect.gather [hbm4b:s5+s6], $0x80, s11, s6, $0xb8;
	[tilespmem:$0x10200] =	vst v63  }
0x2e: {  	_ =	swait.ge [sflag:s13], $0x4000  }
0x2f: {  	[sflag:s13] =	ssyncset.done $0x0  }
0x30: {  	[sflag:s13] =	ssyncadd.s32 $0xFFFFC000  }
0x31: {  	_ =	swait.ge [sflag:s13], $0x4000  }
0x32: {  	[sflag:s13] =	ssyncset.done $0x0  }
0x33: {  	[sflag:s13] =	ssyncadd.s32 $0xFFFFC000  }
0x34: {  	_ =	swait.ge [sflag:s13], $0x4000  }
0x35: {  	[sflag:s13] =	ssyncset.done $0x0  }
0x36: {  	[sflag:s13] =	ssyncadd.s32 $0xFFFFC000  }
0x37: {  	_ =	swait.ge [sflag:s13], $0x4000  }
0x38: {  	[sflag:s13] =	ssyncset.done $0x0  }
0x39: {  	s16 =	sadd.s32 $0x7F0E00, s23;
	[sflag:s13] =	ssyncadd.s32 $0xFFFFC000  }
0x3a: {  	[hbm4b:s16+s2] =	stream.linear.scatter [tilespmem:s7], [sflag:$0x2], $0x10000, $0x38;
	[tilespmem:$0x10200] =	vst v63  }
0x3b: {  	_ =	swait.ge [sflag:s3], $0x10000  }
0x3c: {  	[sflag:s3] =	ssyncset.done $0x0  }
0x3d: {  	s17 =	sadd.s32 $0x6600, s21;
	[sflag:s3] =	ssyncadd.s32 $0xFFFF0000  }
0x3e: {  	[tilespmem:s2], [sflag:$0x2] =	stream.linear.gather [hbm4b:s17+s2], $0x200, $0x38;
	[tilespmem:$0x10200] =	vst v63  }
0x3f: {  	_ =	swait.ge [sflag:s3], $0x200  }
0x40: {  	[sflag:s3] =	ssyncset.done $0x0  }
0x41: {  	[sflag:s3] =	ssyncadd.s32 $0xFFFFFE00  }
0x42: {  	[tilespmem:s7], [sflag:$0x1] =	stream.indirect.gather [hbm4b:s5+s6], $0x80, s2, s6, $0xb8;
	[tilespmem:$0x10200] =	vst v63  }
0x43: {  	_ = 	snop  }
0x44: {  	[tilespmem:s8], [sflag:$0x1] =	stream.indirect.gather [hbm4b:s5+s6], $0x80, s6, s6, $0xb8;
	[tilespmem:$0x10200] =	vst v63  }
0x45: {  	_ = 	snop  }
0x46: {  	[tilespmem:s10], [sflag:$0x1] =	stream.indirect.gather [hbm4b:s5+s6], $0x80, s9, s6, $0xb8;
	[tilespmem:$0x10200] =	vst v63  }
0x47: {  	_ = 	snop  }
0x48: {  	[tilespmem:s12], [sflag:$0x1] =	stream.indirect.gather [hbm4b:s5+s6], $0x80, s11, s6, $0xb8;
	[tilespmem:$0x10200] =	vst v63  }
0x49: {  	_ =	swait.ge [sflag:s13], $0x4000  }
0x4a: {  	[sflag:s13] =	ssyncset.done $0x0  }
0x4b: {  	[sflag:s13] =	ssyncadd.s32 $0xFFFFC000  }
0x4c: {  	_ =	swait.ge [sflag:s13], $0x4000  }
0x4d: {  	[sflag:s13] =	ssyncset.done $0x0  }
0x4e: {  	[sflag:s13] =	ssyncadd.s32 $0xFFFFC000  }
0x4f: {  	_ =	swait.ge [sflag:s13], $0x4000  }
0x50: {  	[sflag:s13] =	ssyncset.done $0x0  }
0x51: {  	[sflag:s13] =	ssyncadd.s32 $0xFFFFC000  }
0x52: {  	_ =	swait.ge [sflag:s13], $0x4000  }
0x53: {  	[sflag:s13] =	ssyncset.done $0x0  }
0x54: {  	s18 =	sadd.s32 $0x830E00, s23;
	[sflag:s13] =	ssyncadd.s32 $0xFFFFC000  }
0x55: {  	[hbm4b:s18+s2] =	stream.linear.scatter [tilespmem:s7], [sflag:$0x2], $0x10000, $0x38;
	[tilespmem:$0x10200] =	vst v63  }
0x56: {  	_ =	swait.ge [sflag:s3], $0x10000  }
0x57: {  	[sflag:s3] =	ssyncset.done $0x0  }
0x58: {  	s19 =	sadd.s32 $0x7600, s21;
	[sflag:s3] =	ssyncadd.s32 $0xFFFF0000  }
0x59: {  	[tilespmem:s2], [sflag:$0x2] =	stream.linear.gather [hbm4b:s19+s2], $0x200, $0x38;
	[tilespmem:$0x10200] =	vst v63  }
0x5a: {  	_ =	swait.ge [sflag:s3], $0x200  }
0x5b: {  	[sflag:s3] =	ssyncset.done $0x0  }
0x5c: {  	[sflag:s3] =	ssyncadd.s32 $0xFFFFFE00  }
0x5d: {  	[tilespmem:s7], [sflag:$0x1] =	stream.indirect.gather [hbm4b:s5+s6], $0x80, s2, s6, $0xb8;
	[tilespmem:$0x10200] =	vst v63  }
0x5e: {  	_ = 	snop  }
0x5f: {  	[tilespmem:s8], [sflag:$0x1] =	stream.indirect.gather [hbm4b:s5+s6], $0x80, s6, s6, $0xb8;
	[tilespmem:$0x10200] =	vst v63  }
0x60: {  	_ = 	snop  }
0x61: {  	[tilespmem:s10], [sflag:$0x1] =	stream.indirect.gather [hbm4b:s5+s6], $0x80, s9, s6, $0xb8;
	[tilespmem:$0x10200] =	vst v63  }
0x62: {  	_ = 	snop  }
0x63: {  	[tilespmem:s12], [sflag:$0x1] =	stream.indirect.gather [hbm4b:s5+s6], $0x80, s11, s6, $0xb8;
	[tilespmem:$0x10200] =	vst v63  }
0x64: {  	_ =	swait.ge [sflag:s13], $0x4000  }
0x65: {  	[sflag:s13] =	ssyncset.done $0x0  }
0x66: {  	[sflag:s13] =	ssyncadd.s32 $0xFFFFC000  }
0x67: {  	_ =	swait.ge [sflag:s13], $0x4000  }
0x68: {  	[sflag:s13] =	ssyncset.done $0x0  }
0x69: {  	[sflag:s13] =	ssyncadd.s32 $0xFFFFC000  }
0x6a: {  	_ =	swait.ge [sflag:s13], $0x4000  }
0x6b: {  	[sflag:s13] =	ssyncset.done $0x0  }
0x6c: {  	[sflag:s13] =	ssyncadd.s32 $0xFFFFC000  }
0x6d: {  	_ =	swait.ge [sflag:s13], $0x4000  }
0x6e: {  	[sflag:s13] =	ssyncset.done $0x0  }
0x6f: {  	s20 =	sadd.s32 $0x870E00, s23;
	[sflag:s13] =	ssyncadd.s32 $0xFFFFC000  }
0x70: {  	[hbm4b:s20+s2] =	stream.linear.scatter [tilespmem:s7], [sflag:$0x2], $0x10000, $0x38;
	[tilespmem:$0x10200] =	vst v63  }
0x71: {  	_ =	swait.ge [sflag:s3], $0x10000  }
0x72: {  	[sflag:s3] =	ssyncset.done $0x0  }
0x73: {  	s21 =	sadd.s32 $0x8600, s21;
	[sflag:s3] =	ssyncadd.s32 $0xFFFF0000  }
0x74: {  	[tilespmem:s2], [sflag:$0x2] =	stream.linear.gather [hbm4b:s21+s2], $0x200, $0x38;
	[tilespmem:$0x10200] =	vst v63  }
0x75: {  	_ =	swait.ge [sflag:s3], $0x200  }
0x76: {  	[sflag:s3] =	ssyncset.done $0x0  }
0x77: {  	[sflag:s3] =	ssyncadd.s32 $0xFFFFFE00  }
0x78: {  	[tilespmem:s7], [sflag:$0x1] =	stream.indirect.gather [hbm4b:s5+s6], $0x80, s2, s6, $0xb8;
	[tilespmem:$0x10200] =	vst v63  }
0x79: {  	_ = 	snop  }
0x7a: {  	[tilespmem:s8], [sflag:$0x1] =	stream.indirect.gather [hbm4b:s5+s6], $0x80, s6, s6, $0xb8;
	[tilespmem:$0x10200] =	vst v63  }
0x7b: {  	_ = 	snop  }
0x7c: {  	[tilespmem:s10], [sflag:$0x1] =	stream.indirect.gather [hbm4b:s5+s6], $0x80, s9, s6, $0xb8;
	[tilespmem:$0x10200] =	vst v63  }
0x7d: {  	_ = 	snop  }
0x7e: {  	[tilespmem:s12], [sflag:$0x1] =	stream.indirect.gather [hbm4b:s5+s6], $0x80, s11, s6, $0xb8;
	[tilespmem:$0x10200] =	vst v63  }
0x7f: {  	_ =	swait.ge [sflag:s13], $0x4000  }
0x80: {  	[sflag:s13] =	ssyncset.done $0x0  }
0x81: {  	[sflag:s13] =	ssyncadd.s32 $0xFFFFC000  }
0x82: {  	_ =	swait.ge [sflag:s13], $0x4000  }
0x83: {  	[sflag:s13] =	ssyncset.done $0x0  }
0x84: {  	s22 =	ssub.s32 $0x2, s22;
	[sflag:s13] =	ssyncadd.s32 $0xFFFFC000  }
0x85: {  	s24 =	sshrl.u32 s22, $0x1;
	_ =	swait.ge [sflag:s13], $0x4000  }
0x86: {  	s24 =	ssub.s32 s22, s24;
	[sflag:s13] =	ssyncset.done $0x0  }
0x87: {  	s31 =	smax.u32 s24, $0x1;
	[sflag:s13] =	ssyncadd.s32 $0xFFFFC000  }
0x88: {  	p0 =	sne.s32 s31, $0x1;
	_ =	swait.ge [sflag:s13], $0x4000  }
.Ltmp0:
0x89: {  	[sflag:s13] =	ssyncset.done $0x0;
	(pc) =	sbr.rel @!p0 .LBB2_2-.Ltmp0, $4  }
0x8a: {  	s22 =	sadd.s32 $0x8B0E00, s23;
	[sflag:s13] =	ssyncadd.s32 $0xFFFFC000  }
0x8b: {  	[hbm4b:s22+s2] =	stream.linear.scatter [tilespmem:s7], [sflag:$0x2], $0x10000, $0x38;
	[tilespmem:$0x10200] =	vst v63  }
0x8c: {  	_ =	swait.ge [sflag:s3], $0x10000  }
0x8d: {  	s23 =	sadd.s32 $0xFFFFFFFF, s31;
	[sflag:s3] =	ssyncset.done $0x0  }
.LBB2_1:
0x8e: {  	p0 =	sne.s32 s23, $0x1;
	s23 =	sadd.s32 $0xFFFFFFFF, s23;
	[sflag:s3] =	ssyncadd.s32 $0xFFFF0000  }
0x8f: {  	[tilespmem:s2], [sflag:$0x2] =	stream.linear.gather [hbm4b:s4+s2], $0x200, $0x38;
	[tilespmem:$0x10200] =	vst v63  }
0x90: {  	_ =	swait.ge [sflag:s3], $0x200  }
0x91: {  	[sflag:s3] =	ssyncset.done $0x0  }
0x92: {  	[sflag:s3] =	ssyncadd.s32 $0xFFFFFE00  }
0x93: {  	[tilespmem:s7], [sflag:$0x1] =	stream.indirect.gather [hbm4b:s5+s6], $0x80, s2, s6, $0xb8;
	[tilespmem:$0x10200] =	vst v63  }
0x94: {  	_ = 	snop  }
0x95: {  	[tilespmem:s8], [sflag:$0x1] =	stream.indirect.gather [hbm4b:s5+s6], $0x80, s6, s6, $0xb8;
	[tilespmem:$0x10200] =	vst v63  }
0x96: {  	_ = 	snop  }
0x97: {  	[tilespmem:s10], [sflag:$0x1] =	stream.indirect.gather [hbm4b:s5+s6], $0x80, s9, s6, $0xb8;
	[tilespmem:$0x10200] =	vst v63  }
0x98: {  	_ = 	snop  }
0x99: {  	[tilespmem:s12], [sflag:$0x1] =	stream.indirect.gather [hbm4b:s5+s6], $0x80, s11, s6, $0xb8;
	[tilespmem:$0x10200] =	vst v63  }
0x9a: {  	_ =	swait.ge [sflag:s13], $0x4000  }
0x9b: {  	[sflag:s13] =	ssyncset.done $0x0  }
0x9c: {  	[sflag:s13] =	ssyncadd.s32 $0xFFFFC000  }
0x9d: {  	_ =	swait.ge [sflag:s13], $0x4000  }
0x9e: {  	[sflag:s13] =	ssyncset.done $0x0  }
0x9f: {  	[sflag:s13] =	ssyncadd.s32 $0xFFFFC000  }
0xa0: {  	_ =	swait.ge [sflag:s13], $0x4000  }
0xa1: {  	[sflag:s13] =	ssyncset.done $0x0  }
0xa2: {  	[sflag:s13] =	ssyncadd.s32 $0xFFFFC000  }
0xa3: {  	_ =	swait.ge [sflag:s13], $0x4000  }
0xa4: {  	[sflag:s13] =	ssyncset.done $0x0  }
0xa5: {  	[sflag:s13] =	ssyncadd.s32 $0xFFFFC000  }
0xa6: {  	[hbm4b:s14+s2] =	stream.linear.scatter [tilespmem:s7], [sflag:$0x2], $0x10000, $0x38;
	[tilespmem:$0x10200] =	vst v63  }
0xa7: {  	_ =	swait.ge [sflag:s3], $0x10000  }
0xa8: {  	[sflag:s3] =	ssyncset.done $0x0  }
0xa9: {  	[sflag:s3] =	ssyncadd.s32 $0xFFFF0000  }
0xaa: {  	[tilespmem:s2], [sflag:$0x2] =	stream.linear.gather [hbm4b:s15+s2], $0x200, $0x38;
	[tilespmem:$0x10200] =	vst v63  }
0xab: {  	_ =	swait.ge [sflag:s3], $0x200  }
0xac: {  	[sflag:s3] =	ssyncset.done $0x0  }
0xad: {  	[sflag:s3] =	ssyncadd.s32 $0xFFFFFE00  }
0xae: {  	[tilespmem:s7], [sflag:$0x1] =	stream.indirect.gather [hbm4b:s5+s6], $0x80, s2, s6, $0xb8;
	[tilespmem:$0x10200] =	vst v63  }
0xaf: {  	_ = 	snop  }
0xb0: {  	[tilespmem:s8], [sflag:$0x1] =	stream.indirect.gather [hbm4b:s5+s6], $0x80, s6, s6, $0xb8;
	[tilespmem:$0x10200] =	vst v63  }
0xb1: {  	_ = 	snop  }
0xb2: {  	[tilespmem:s10], [sflag:$0x1] =	stream.indirect.gather [hbm4b:s5+s6], $0x80, s9, s6, $0xb8;
	[tilespmem:$0x10200] =	vst v63  }
0xb3: {  	_ = 	snop  }
0xb4: {  	[tilespmem:s12], [sflag:$0x1] =	stream.indirect.gather [hbm4b:s5+s6], $0x80, s11, s6, $0xb8;
	[tilespmem:$0x10200] =	vst v63  }
0xb5: {  	_ =	swait.ge [sflag:s13], $0x4000  }
0xb6: {  	[sflag:s13] =	ssyncset.done $0x0  }
0xb7: {  	[sflag:s13] =	ssyncadd.s32 $0xFFFFC000  }
0xb8: {  	_ =	swait.ge [sflag:s13], $0x4000  }
0xb9: {  	[sflag:s13] =	ssyncset.done $0x0  }
0xba: {  	[sflag:s13] =	ssyncadd.s32 $0xFFFFC000  }
0xbb: {  	_ =	swait.ge [sflag:s13], $0x4000  }
0xbc: {  	[sflag:s13] =	ssyncset.done $0x0  }
0xbd: {  	[sflag:s13] =	ssyncadd.s32 $0xFFFFC000  }
0xbe: {  	_ =	swait.ge [sflag:s13], $0x4000  }
0xbf: {  	[sflag:s13] =	ssyncset.done $0x0  }
0xc0: {  	[sflag:s13] =	ssyncadd.s32 $0xFFFFC000  }
0xc1: {  	[hbm4b:s16+s2] =	stream.linear.scatter [tilespmem:s7], [sflag:$0x2], $0x10000, $0x38;
	[tilespmem:$0x10200] =	vst v63  }
0xc2: {  	_ =	swait.ge [sflag:s3], $0x10000  }
0xc3: {  	[sflag:s3] =	ssyncset.done $0x0  }
0xc4: {  	[sflag:s3] =	ssyncadd.s32 $0xFFFF0000  }
0xc5: {  	[tilespmem:s2], [sflag:$0x2] =	stream.linear.gather [hbm4b:s17+s2], $0x200, $0x38;
	[tilespmem:$0x10200] =	vst v63  }
0xc6: {  	_ =	swait.ge [sflag:s3], $0x200  }
0xc7: {  	[sflag:s3] =	ssyncset.done $0x0  }
0xc8: {  	[sflag:s3] =	ssyncadd.s32 $0xFFFFFE00  }
0xc9: {  	[tilespmem:s7], [sflag:$0x1] =	stream.indirect.gather [hbm4b:s5+s6], $0x80, s2, s6, $0xb8;
	[tilespmem:$0x10200] =	vst v63  }
0xca: {  	_ = 	snop  }
0xcb: {  	[tilespmem:s8], [sflag:$0x1] =	stream.indirect.gather [hbm4b:s5+s6], $0x80, s6, s6, $0xb8;
	[tilespmem:$0x10200] =	vst v63  }
0xcc: {  	_ = 	snop  }
0xcd: {  	[tilespmem:s10], [sflag:$0x1] =	stream.indirect.gather [hbm4b:s5+s6], $0x80, s9, s6, $0xb8;
	[tilespmem:$0x10200] =	vst v63  }
0xce: {  	_ = 	snop  }
0xcf: {  	[tilespmem:s12], [sflag:$0x1] =	stream.indirect.gather [hbm4b:s5+s6], $0x80, s11, s6, $0xb8;
	[tilespmem:$0x10200] =	vst v63  }
0xd0: {  	_ =	swait.ge [sflag:s13], $0x4000  }
0xd1: {  	[sflag:s13] =	ssyncset.done $0x0  }
0xd2: {  	[sflag:s13] =	ssyncadd.s32 $0xFFFFC000  }
0xd3: {  	_ =	swait.ge [sflag:s13], $0x4000  }
0xd4: {  	[sflag:s13] =	ssyncset.done $0x0  }
0xd5: {  	[sflag:s13] =	ssyncadd.s32 $0xFFFFC000  }
0xd6: {  	_ =	swait.ge [sflag:s13], $0x4000  }
0xd7: {  	[sflag:s13] =	ssyncset.done $0x0  }
0xd8: {  	[sflag:s13] =	ssyncadd.s32 $0xFFFFC000  }
0xd9: {  	_ =	swait.ge [sflag:s13], $0x4000  }
0xda: {  	[sflag:s13] =	ssyncset.done $0x0  }
0xdb: {  	[sflag:s13] =	ssyncadd.s32 $0xFFFFC000  }
0xdc: {  	[hbm4b:s18+s2] =	stream.linear.scatter [tilespmem:s7], [sflag:$0x2], $0x10000, $0x38;
	[tilespmem:$0x10200] =	vst v63  }
0xdd: {  	_ =	swait.ge [sflag:s3], $0x10000  }
0xde: {  	[sflag:s3] =	ssyncset.done $0x0  }
0xdf: {  	[sflag:s3] =	ssyncadd.s32 $0xFFFF0000  }
0xe0: {  	[tilespmem:s2], [sflag:$0x2] =	stream.linear.gather [hbm4b:s19+s2], $0x200, $0x38;
	[tilespmem:$0x10200] =	vst v63  }
0xe1: {  	_ =	swait.ge [sflag:s3], $0x200  }
0xe2: {  	[sflag:s3] =	ssyncset.done $0x0  }
0xe3: {  	[sflag:s3] =	ssyncadd.s32 $0xFFFFFE00  }
0xe4: {  	[tilespmem:s7], [sflag:$0x1] =	stream.indirect.gather [hbm4b:s5+s6], $0x80, s2, s6, $0xb8;
	[tilespmem:$0x10200] =	vst v63  }
0xe5: {  	_ = 	snop  }
0xe6: {  	[tilespmem:s8], [sflag:$0x1] =	stream.indirect.gather [hbm4b:s5+s6], $0x80, s6, s6, $0xb8;
	[tilespmem:$0x10200] =	vst v63  }
0xe7: {  	_ = 	snop  }
0xe8: {  	[tilespmem:s10], [sflag:$0x1] =	stream.indirect.gather [hbm4b:s5+s6], $0x80, s9, s6, $0xb8;
	[tilespmem:$0x10200] =	vst v63  }
0xe9: {  	_ = 	snop  }
0xea: {  	[tilespmem:s12], [sflag:$0x1] =	stream.indirect.gather [hbm4b:s5+s6], $0x80, s11, s6, $0xb8;
	[tilespmem:$0x10200] =	vst v63  }
0xeb: {  	_ =	swait.ge [sflag:s13], $0x4000  }
0xec: {  	[sflag:s13] =	ssyncset.done $0x0  }
0xed: {  	[sflag:s13] =	ssyncadd.s32 $0xFFFFC000  }
0xee: {  	_ =	swait.ge [sflag:s13], $0x4000  }
0xef: {  	[sflag:s13] =	ssyncset.done $0x0  }
0xf0: {  	[sflag:s13] =	ssyncadd.s32 $0xFFFFC000  }
0xf1: {  	_ =	swait.ge [sflag:s13], $0x4000  }
0xf2: {  	[sflag:s13] =	ssyncset.done $0x0  }
0xf3: {  	[sflag:s13] =	ssyncadd.s32 $0xFFFFC000  }
0xf4: {  	_ =	swait.ge [sflag:s13], $0x4000  }
0xf5: {  	[sflag:s13] =	ssyncset.done $0x0  }
0xf6: {  	[sflag:s13] =	ssyncadd.s32 $0xFFFFC000  }
0xf7: {  	[hbm4b:s20+s2] =	stream.linear.scatter [tilespmem:s7], [sflag:$0x2], $0x10000, $0x38;
	[tilespmem:$0x10200] =	vst v63  }
0xf8: {  	_ =	swait.ge [sflag:s3], $0x10000  }
0xf9: {  	[sflag:s3] =	ssyncset.done $0x0  }
0xfa: {  	[sflag:s3] =	ssyncadd.s32 $0xFFFF0000  }
0xfb: {  	[tilespmem:s2], [sflag:$0x2] =	stream.linear.gather [hbm4b:s21+s2], $0x200, $0x38;
	[tilespmem:$0x10200] =	vst v63  }
0xfc: {  	_ =	swait.ge [sflag:s3], $0x200  }
0xfd: {  	[sflag:s3] =	ssyncset.done $0x0  }
0xfe: {  	[sflag:s3] =	ssyncadd.s32 $0xFFFFFE00  }
0xff: {  	[tilespmem:s7], [sflag:$0x1] =	stream.indirect.gather [hbm4b:s5+s6], $0x80, s2, s6, $0xb8;
	[tilespmem:$0x10200] =	vst v63  }
0x100: {  	_ = 	snop  }
0x101: {  	[tilespmem:s8], [sflag:$0x1] =	stream.indirect.gather [hbm4b:s5+s6], $0x80, s6, s6, $0xb8;
	[tilespmem:$0x10200] =	vst v63  }
0x102: {  	_ = 	snop  }
0x103: {  	[tilespmem:s10], [sflag:$0x1] =	stream.indirect.gather [hbm4b:s5+s6], $0x80, s9, s6, $0xb8;
	[tilespmem:$0x10200] =	vst v63  }
0x104: {  	_ = 	snop  }
0x105: {  	[tilespmem:s12], [sflag:$0x1] =	stream.indirect.gather [hbm4b:s5+s6], $0x80, s11, s6, $0xb8;
	[tilespmem:$0x10200] =	vst v63  }
0x106: {  	_ =	swait.ge [sflag:s13], $0x4000  }
0x107: {  	[sflag:s13] =	ssyncset.done $0x0  }
0x108: {  	[sflag:s13] =	ssyncadd.s32 $0xFFFFC000  }
0x109: {  	_ =	swait.ge [sflag:s13], $0x4000  }
0x10a: {  	[sflag:s13] =	ssyncset.done $0x0  }
0x10b: {  	[sflag:s13] =	ssyncadd.s32 $0xFFFFC000  }
0x10c: {  	_ =	swait.ge [sflag:s13], $0x4000  }
0x10d: {  	[sflag:s13] =	ssyncset.done $0x0  }
0x10e: {  	[sflag:s13] =	ssyncadd.s32 $0xFFFFC000  }
0x10f: {  	_ =	swait.ge [sflag:s13], $0x4000  }
.Ltmp1:
0x110: {  	[sflag:s13] =	ssyncset.done $0x0;
	(pc) =	sbr.rel @p0 .LBB2_1-.Ltmp1, $4  }
0x111: {  	[sflag:s13] =	ssyncadd.s32 $0xFFFFC000  }
0x112: {  	[hbm4b:s22+s2] =	stream.linear.scatter [tilespmem:s7], [sflag:$0x2], $0x10000, $0x38;
	[tilespmem:$0x10200] =	vst v63  }
0x113: {  	_ =	swait.ge [sflag:s3], $0x10000  }
0x114: {  	[sflag:s3] =	ssyncset.done $0x0  }
.LBB2_2:
0x115: {  	[sflag:s3] =	ssyncadd.s32 $0xFFFF0000  }
0x116: {  	_ =	sfence.sel $0x180000  }
0x117: {  	[bflag:$0x0] =	sbarrier.arrive $0xFFFF  }
0x118: {  	p0 =	sne.s32 s0, $0x0;
	_ =	strace $0x90000047  }
0x119: {  	s0 =	sadd.s32 @!p0 $0x100000, s1;
	[bflag:$0x2] =	sbarrier.arrive $0xFFFF  }
0x11a: {  	[sflag:s0] =	ssyncadd.tile.s32 @!p0 $0x1;
	_ =	shalt  }
.Lfunc_end2:
_tile_overlayer_lowered:
.L_overlay_start_2:
0x11b: {  	(tag) =	ssettag $0x2  }
0x11c: {  	s0 =	rddreg [dreg:$0x0];
	s2 =	stileid.u32  }
0x11d: {  	s1 =	rddreg [dreg:$0x1];
	p0 =	sne.s32 s2, $0x0  }
0x11e: {  	s3 =	rddreg [dreg:$0x2];
	[bflag:$0x3] =	sbarrier.arrive $0xFFFF;
	s2 =	simm.s32 @!p0 $0x1C02  }
0x11f: {  	[timem:s3], [sflag:s2] =	dma.local @!p0 [hbm:s0], s1  }
0x120: {  	s0 =	simm.s32 @!p0 $0x2  }
0x121: {  	_ =	swait.ge @!p0 [sflag:s0], s1  }
0x122: {  	s1 =	ssub.s32 @!p0 $0x0, s1;
	[sflag:s0] =	ssyncset.done @!p0 $0x0  }
0x123: {  	[sflag:s0] =	ssyncadd.s32 @!p0 s1  }
0x124: {  	[bflag:$0x3] =	sbarrier.arrive $0xFFFF  }
0x125: {  	_ =	shalt  }

// kernel: sc_user_gather.3.cloned.1.call-start
scs
__scs_entry_jumppad:
0x0: {  	(pc) =	sbr.rel $0x88, $3  }
0x1: {  	(tag) =	ssettag $0x0;
	lr =	simm.s32 $0x1  }
0x2: {  	[smem:$0x3F8C] =	sst lr;
	_ =	strace $0xD0000000  }
0x3: {  	_ = 	snop  }
0x4: {  	_ = 	snop  }
0x5: {  	_ = 	snop  }
0x6: {  	_ = 	snop  }
0x7: {  	_ = 	snop  }
__scs_overlays_trampoline_lowered:
0x8: {  	[smem:$0x3F9B] =	sst s0  }
0x9: {  	[smem:$0x3F9C] =	sst s1  }
0xa: {  	[smem:$0x3F9D] =	sst s2  }
0xb: {  	[smem:$0x3F9E] =	sst s3  }
0xc: {  	[smem:$0x3F9F] =	sst s4  }
0xd: {  	[smem:$0x3FA0] =	sst s5  }
0xe: {  	[smem:$0x3FA1] =	sst s6  }
0xf: {  	[smem:$0x3FA2] =	sst s7  }
0x10: {  	[smem:$0x3FA3] =	sst s8  }
0x11: {  	[smem:$0x3FA4] =	sst s9;
	s0 =	simm.s32 @!p0 $0x0  }
0x12: {  	s1 =	sld [smem:$0x3F8A];
	s0 =	simm.s32 @p0 $0x1  }
0x13: {  	[smem:$0x3FA5] =	sst s0;
	s0 =	simm.s32 @!p1 $0x0  }
0x14: {  	s2 =	sld [smem:$0x3F89];
	s0 =	simm.s32 @p1 $0x1  }
0x15: {  	[smem:$0x3FA6] =	sst s0;
	s0 =	simm.s32 @!p2 $0x0  }
0x16: {  	s3 =	sld [smem:$0x3FDB];
	s0 =	simm.s32 @p2 $0x1  }
0x17: {  	s4 =	simm.s32 $0x1BF5;
	[smem:$0x3FA8] =	sst s0  }
0x18: {  	s0 =	sld [smem:$0x3F8B];
	_ =	swait.ge [sflag:s4], $0x0  }
0x19: {  	s7 =	sld [smem:$0x3F8C]  }
0x1a: {  	s8 =	sadd.s32 $0xFFFFE003, lr  }
0x1b: {  	s9 =	sadd.s32 $0xFFFFFEF7, lr;
	s5 =	simm.s32 $0xFFFFFFFF;
	p2 =	slt.u32 s8, $0xFFFFF086  }
0x1c: {  	p1 =	slt.u32 s9, $0xF7A;
	s5 =	simm.s32 @!p2 $0x0  }
0x1d: {  	s5 =	simm.s32 @p1 $0x1;
	p0 =	seq.s32 s7, s2  }
0x1e: {  	s7 =	smul.u32 @!p0 $0xF7A, s2;
	p2 =	seq.s32 @!p0 s5, $0x0  }
0x1f: {  	s9 =	smul.u32 $0xF7A, s1;
	s8 =	simm.s32 @!p0 $0x1BF5;
	p2 =	por !p2, p0  }
0x20: {  	[sflag:s8] =	ssyncset.s32 @!p0 $0xFFFFF086;
	s6 =	sadd.s32 @!p0 s3, s7;
	s7 =	simm.s32 @!p0 $0x108  }
0x21: {  	s3 =	sadd.s32 s3, s9;
	s6 =	sadd.s32 @!p0 $0x88, s6;
	s7 =	simm.s32 @p2 $0x1082  }
0x22: {  	[simem:s7], [sflag:s8] =	dma.local @!p0 [hbm:s6], $0xF7A  }
0x23: {  	s9 =	sor.u32 $0xD0000000, s2;
	s6 =	simm.s32 $0x108;
	_ =	swait.ge @!p0 [sflag:s8], $0x0  }
0x24: {  	s3 =	sadd.s32 $0x88, s3;
	s6 =	simm.s32 @!p1 $0x1082;
	[sflag:s4] =	ssyncset.s32 $0xFFFFF086  }
0x25: {  	[simem:s6], [sflag:s4] =	dma.local [hbm:s3], $0xF7A  }
0x26: {  	[smem:$0x3F8C] =	sst s1;
	(tag) =	ssettag s2;
	_ =	strace s9  }
0x27: {  	s1 =	sld [smem:$0x3F9C]  }
0x28: {  	s2 =	sld [smem:$0x3F9D]  }
0x29: {  	s4 =	sld [smem:$0x3F9F]  }
0x2a: {  	p0 =	seq.s32 s5, $0x0;
	s5 =	sld [smem:$0x3FA0]  }
0x2b: {  	s6 =	sld [smem:$0x3FA1]  }
0x2c: {  	s7 =	sld [smem:$0x3FA2]  }
0x2d: {  	s3 =	simm.s32 $0x108;
	s8 =	sld [smem:$0x3FA3]  }
0x2e: {  	s3 =	simm.s32 @!p0 $0x1082;
	s9 =	sld [smem:$0x3FA4]  }
0x2f: {  	lr =	sadd.s32 s0, s3;
	s0 =	sld [smem:$0x3F9B]  }
0x30: {  	s3 =	sld [smem:$0x3F9E]  }
0x31: {  	[smem:$0x3FA7] =	sst s10  }
0x32: {  	s10 =	sld [smem:$0x3FA5];
	_ =	sdelay $0x3  }
0x33: {  	p0 =	seq.s32 s10, $0x1;
	s10 =	sld [smem:$0x3FA7];
	_ =	sdelay $0x3  }
0x34: {  	[smem:$0x3FA7] =	sst s10  }
0x35: {  	s10 =	sld [smem:$0x3FA6];
	_ =	sdelay $0x3  }
0x36: {  	p1 =	seq.s32 s10, $0x1;
	s10 =	sld [smem:$0x3FA7];
	_ =	sdelay $0x3  }
0x37: {  	[smem:$0x3FA7] =	sst s10  }
0x38: {  	s10 =	sld [smem:$0x3FA8]  }
0x39: {  	_ = 	snop;
	(pc) =	sbr.ind lr, $3  }
0x3a: {  	_ = 	snop  }
0x3b: {  	_ = 	snop  }
0x3c: {  	p2 =	seq.s32 s10, $0x1;
	s10 =	sld [smem:$0x3FA7]  }
0x3d: {  	_ =	shalt  }
0x3e: {  	_ =	shalt  }
0x3f: {  	_ =	shalt  }
0x40: {  	_ =	shalt  }
0x41: {  	_ =	shalt  }
0x42: {  	_ =	shalt  }
0x43: {  	_ =	shalt  }
0x44: {  	_ =	shalt  }
0x45: {  	_ =	shalt  }
0x46: {  	_ =	shalt  }
0x47: {  	_ =	shalt  }
0x48: {  	_ =	shalt  }
0x49: {  	_ =	shalt  }
0x4a: {  	_ =	shalt  }
0x4b: {  	_ =	shalt  }
0x4c: {  	_ =	shalt  }
0x4d: {  	_ =	shalt  }
0x4e: {  	_ =	shalt  }
0x4f: {  	_ =	shalt  }
0x50: {  	_ =	shalt  }
0x51: {  	_ =	shalt  }
0x52: {  	_ =	shalt  }
0x53: {  	_ =	shalt  }
0x54: {  	_ =	shalt  }
0x55: {  	_ =	shalt  }
0x56: {  	_ =	shalt  }
0x57: {  	_ =	shalt  }
0x58: {  	_ =	shalt  }
0x59: {  	_ =	shalt  }
0x5a: {  	_ =	shalt  }
0x5b: {  	_ =	shalt  }
0x5c: {  	_ =	shalt  }
0x5d: {  	_ =	shalt  }
0x5e: {  	_ =	shalt  }
0x5f: {  	_ =	shalt  }
0x60: {  	_ =	shalt  }
0x61: {  	_ =	shalt  }
0x62: {  	_ =	shalt  }
0x63: {  	_ =	shalt  }
0x64: {  	_ =	shalt  }
0x65: {  	_ =	shalt  }
0x66: {  	_ =	shalt  }
0x67: {  	_ =	shalt  }
0x68: {  	_ =	shalt  }
0x69: {  	_ =	shalt  }
0x6a: {  	_ =	shalt  }
0x6b: {  	_ =	shalt  }
0x6c: {  	_ =	shalt  }
0x6d: {  	_ =	shalt  }
0x6e: {  	_ =	shalt  }
0x6f: {  	_ =	shalt  }
0x70: {  	_ =	shalt  }
0x71: {  	_ =	shalt  }
0x72: {  	_ =	shalt  }
0x73: {  	_ =	shalt  }
0x74: {  	_ =	shalt  }
0x75: {  	_ =	shalt  }
0x76: {  	_ =	shalt  }
0x77: {  	_ =	shalt  }
0x78: {  	_ =	shalt  }
0x79: {  	_ =	shalt  }
0x7a: {  	_ =	shalt  }
0x7b: {  	_ =	shalt  }
0x7c: {  	_ =	shalt  }
0x7d: {  	_ =	shalt  }
0x7e: {  	_ =	shalt  }
0x7f: {  	_ =	shalt  }
0x80: {  	_ =	shalt  }
0x81: {  	_ =	shalt  }
0x82: {  	_ =	shalt  }
0x83: {  	_ =	shalt  }
0x84: {  	_ =	shalt  }
0x85: {  	_ =	shalt  }
0x86: {  	_ =	shalt  }
0x87: {  	_ =	shalt  }
.Lfunc_end0:
.L_simem_size_0:
called_computation.1_lowered:
.L_overlay_start_0:
0x88: {  	s2 =	sld [smem:$0x3FD9]  }
0x89: {  	s3 =	sld [smem:$0x3FFE];
	_ =	sdelay $0x1  }
0x8a: {  	s1 =	srdreg.scid  }
0x8b: {  	s0 =	sand.u32 $0x1, s1  }
0x8c: {  	s17 =	sshll.u32 s0, $0xA;
	s2 =	sadd.s32 s3, s2  }
0x8d: {  	s2 =	sadd.s32 s2, s17  }
0x8e: {  	[smem:$0x3FB3] =	sst s2  }
0x8f: {  	_ = 	snop  }
0x90: {  	(tm) =	ssettm $0x1  }
0x91: {  	s18 =	sld [smem:$0x3FFB];
	_ =	sdelay $0x3  }
0x92: {  	_ =	strace s18  }
0x93: {  	s2 =	sld [smem:$0x3FFC];
	_ =	sdelay $0x3  }
0x94: {  	_ =	strace s2  }
0x95: {  	s2 =	sld [smem:$0x3FFD];
	_ =	sdelay $0x3  }
0x96: {  	_ =	strace s2  }
0x97: {  	_ =	strace $0x8FFFFFFF  }
0x98: {  	s19 =	sld [smem:$0x3FDB];
	_ =	sdelay $0x1  }
0x99: {  	s20 =	simm.s32 $_scs_section_size  }
0x9a: {  	s4 =	simm.s32 $_size__tile_overlayer_lowered;
	s5 =	simm.s32 $_tile_overlayer_lowered  }
0x9b: {  	s6 =	simm.s32 $0x1BFF;
	s21 =	sshll.u32 s5, $0x1;
	s3 =	sadd.s32 s20, s19  }
0x9c: {  	s22 =	simm.s32 $0x0;
	s4 =	sshll.u32 s4, $0x1;
	s5 =	sadd.s32 s21, s3  }
0x9d: {  	[timem:s22], [sflag:s6] =	dma.local [hbm:s5], s4  }
0x9e: {  	_ =	swait.ge [sflag:s6], s4  }
0x9f: {  	s4 =	ssub.s32 $0x0, s4;
	[sflag:s6] =	ssyncset.done $0x0  }
0xa0: {  	[sflag:s6] =	ssyncadd.s32 s4;
	_ =	sdelay $0x1  }
0xa1: {  	s23 =	simm.s32 $0x1B8B  }
0xa2: {  	_ =	swait.ge [sflag:s23], $0x1  }
0xa3: {  	[sflag:s23] =	ssyncset.done $0x0  }
0xa4: {  	[sflag:s23] =	ssyncadd.s32 $0xFFFFFFFF  }
0xa5: {  	s4 =	sld [smem:$0x0]  }
0xa6: {  	s5 =	sand.u32 $0xFFFFFFFE, s1  }
0xa7: {  	p0 =	sne.s32 s1, s5  }
0xa8: {  	s5 =	sshll.u32 @p0 s5, $0xE  }
0xa9: {  	s5 =	sadd.s32 @p0 $0x11B8D, s5;
	s6 =	sshll.u32 @p0 s4, $0x11  }
0xaa: {  	s5 =	sor.u32 @p0 s6, s5  }
0xab: {  	[sflag:s5] =	ssyncadd.remote.s32 @p0 $0x1;
	_ =	sdelay $0x1  }
0xac: {  	s5 =	simm.s32 @p0 $0x1B8D  }
0xad: {  	_ =	swait.eq @p0 [sflag:s5], $0x1  }
0xae: {  	[sflag:s5] =	ssyncadd.s32 @p0 $0xFFFFFFFF  }
0xaf: {  	s6 =	sshll.u32 @!p0 s1, $0xE  }
0xb0: {  	s6 =	sor.u32 @!p0 $0x4000, s6;
	s5 =	simm.s32 @!p0 $0x1B8D  }
0xb1: {  	s4 =	sshll.u32 @!p0 s4, $0x11;
	s6 =	sadd.s32 @!p0 $0x11B8D, s6;
	_ =	swait.eq @!p0 [sflag:s5], $0x1  }
0xb2: {  	s4 =	sor.u32 @!p0 s4, s6;
	[sflag:s5] =	ssyncadd.s32 @!p0 $0xFFFFFFFF  }
0xb3: {  	s25 =	simm.s32 $0x1B8E;
	s24 =	sld [smem:$0x3FFE];
	[sflag:s4] =	ssyncadd.remote.s32 @!p0 $0x1  }
0xb4: {  	s26 =	simm.s32 $execute0_lowered;
	[smem:$0x3FD2] =	sst s25  }
0xb5: {  	s5 =	sshll.u32 s26, $0x1;
	_ =	strace $0x80000049;
	[dreg:$0x1] =	wrdreg $0xFFFFFFFF  }
0xb6: {  	s28 =	simm.s32 $_size_execute0_lowered;
	s3 =	sadd.s32 s3, s5;
	[dreg:$0x0] =	wrdreg $0x0  }
0xb7: {  	s5 =	sshll.u32 s28, $0x1;
	[dreg:$0x2] =	wrdreg s3  }
0xb8: {  	[dreg:$0x3] =	wrdreg s5  }
0xb9: {  	[dreg:$0x4] =	wrdreg $0xC0  }
0xba: {  	_ =	task [dreg:s22], $0x5FFFF  }
0xbb: {  	[dreg:$0x1] =	wrdreg $0xFFFFFFFF  }
0xbc: {  	[dreg:$0x0] =	wrdreg $0x60  }
0xbd: {  	[dreg:$0x2] =	wrdreg s24  }
0xbe: {  	[dreg:$0x3] =	wrdreg $0xA  }
0xbf: {  	_ =	task.clear_ibuf [dreg:s22], $0x4FFFF;
	_ =	strace $0x90000049  }
0xc0: {  	s29 =	simm.s32 $0xA;
	_ =	strace $0x8000004B  }
0xc1: {  	_ =	swait.ge [sflag:s29], $0x1  }
0xc2: {  	[sflag:s29] =	ssyncadd.s32 $0xFFFFFFFF  }
0xc3: {  	_ =	strace $0x9000004B  }
0xc4: {  	_ =	sfence  }
0xc5: {  	s30 =	sld [smem:$0x0];
	_ =	sdelay $0x2  }
0xc6: {  	s31 =	sshll.u32 s1, $0xD;
	s1 =	sshrl.u32 s1, $0x2  }
0xc7: {  	s4 =	sand.u32 $0x4000, s31;
	s1 =	sadd.s32 s1, s30  }
0xc8: {  	s0 =	sor.u32 s4, s0;
	s1 =	sshll.u32 s1, $0x11  }
0xc9: {  	s0 =	sor.u32 s1, s0  }
0xca: {  	s0 =	sadd.s32 $0x8F2B, s0  }
0xcb: {  	[sflag:s0] =	ssyncadd.remote.s32 $0x1  }
0xcc: {  	_ =	sfence.sel $0xFFFF  }
0xcd: {  	[dreg:$0x0] =	wrdreg $0xFFFFFFFF;
	(pc) =	sbr.abs _section_cstart, $3  }
0xce: {  	[dreg:$0x1] =	wrdreg $0xFFFFFFFF  }
0xcf: {  	_ =	task.clear_ibuf [dreg:s22], $0x2FFFF;
	_ =	strace $0x9FFFFFFF  }
0xd0: {  	(tm) =	ssettm $0x7FFFFFFF  }
0xd1: {  	_ =	shalt  }
tec
execute0_lowered:
.L_overlay_start_1:
0x0: {  	(tag) =	ssettag $0x1  }
0x1: {  	s1 =	srdreg.scid  }
0x2: {  	s0 =	stileid.u32;
	s14 =	sand.u32 $0x1, s1  }
0x3: {  	s29 =	sshll.u32 s0, $0xA;
	s2 =	sshll.u32 s14, $0x9  }
0x4: {  	s15 =	rddreg [dreg:$0x0];
	s16 =	sor.u32 s2, s29  }
0x5: {  	s1 =	rddreg [dreg:$0x1];
	s2 =	simm.s32 $0x0;
	s3 =	sshrl.u32 s16, $0x3  }
0x6: {  	[smem:$0x7FF] =	sst s2;
	s3 =	sadd.s32 s3, s15  }
0x7: {  	_ =	strace $0x8000004A;
	s4 =	sadd.s32 $0x1099600, s3;
	s3 =	simm.s32 $0x2  }
0x8: {  	[tilespmem:s2], [sflag:$0x2] =	stream.linear.gather [hbm4b:s4+s2], $0x200, $0x38;
	[tilespmem:$0x10200] =	vst v63  }
0x9: {  	_ =	swait.ge [sflag:s3], $0x200  }
0xa: {  	s6 =	simm.s32 $0x80;
	[sflag:s3] =	ssyncset.done $0x0  }
0xb: {  	s7 =	simm.s32 $0x200;
	s5 =	sadd.s32 $0x8F0E00, s15;
	[sflag:s3] =	ssyncadd.s32 $0xFFFFFE00  }
0xc: {  	[tilespmem:s7], [sflag:$0x1] =	stream.indirect.gather [hbm4b:s5+s6], $0x80, s2, s6, $0xb8;
	[tilespmem:$0x10200] =	vst v63  }
0xd: {  	s8 =	simm.s32 $0x4200  }
0xe: {  	[tilespmem:s8], [sflag:$0x1] =	stream.indirect.gather [hbm4b:s5+s6], $0x80, s6, s6, $0xb8;
	[tilespmem:$0x10200] =	vst v63  }
0xf: {  	s9 =	simm.s32 $0x100;
	s10 =	simm.s32 $0x8200  }
0x10: {  	[tilespmem:s10], [sflag:$0x1] =	stream.indirect.gather [hbm4b:s5+s6], $0x80, s9, s6, $0xb8;
	[tilespmem:$0x10200] =	vst v63  }
0x11: {  	s11 =	simm.s32 $0x180;
	s12 =	simm.s32 $0xC200;
	s13 =	simm.s32 $0x1  }
0x12: {  	[tilespmem:s12], [sflag:$0x1] =	stream.indirect.gather [hbm4b:s5+s6], $0x80, s11, s6, $0xb8;
	[tilespmem:$0x10200] =	vst v63  }
0x13: {  	_ =	swait.ge [sflag:s13], $0x4000  }
0x14: {  	[sflag:s13] =	ssyncset.done $0x0  }
0x15: {  	[sflag:s13] =	ssyncadd.s32 $0xFFFFC000  }
0x16: {  	_ =	swait.ge [sflag:s13], $0x4000  }
0x17: {  	[sflag:s13] =	ssyncset.done $0x0  }
0x18: {  	s14 =	ssub.s32 $0x2, s14;
	[sflag:s13] =	ssyncadd.s32 $0xFFFFC000  }
0x19: {  	s17 =	sshrl.u32 s14, $0x1;
	_ =	swait.ge [sflag:s13], $0x4000  }
0x1a: {  	s30 =	ssub.s32 s14, s17;
	[sflag:s13] =	ssyncset.done $0x0  }
0x1b: {  	s31 =	smax.u32 s30, $0x1;
	[sflag:s13] =	ssyncadd.s32 $0xFFFFC000  }
0x1c: {  	s16 =	sshll.u32 s16, $0x4;
	p0 =	sne.s32 s31, $0x1;
	_ =	swait.ge [sflag:s13], $0x4000  }
.Ltmp0:
0x1d: {  	s15 =	sadd.s32 s16, s15;
	[sflag:s13] =	ssyncset.done $0x0;
	(pc) =	sbr.rel @!p0 .LBB2_2-.Ltmp0, $4  }
0x1e: {  	s14 =	sadd.s32 $0x1099E00, s15;
	[sflag:s13] =	ssyncadd.s32 $0xFFFFC000  }
0x1f: {  	[hbm4b:s14+s2] =	stream.linear.scatter [tilespmem:s7], [sflag:$0x2], $0x10000, $0x38;
	[tilespmem:$0x10200] =	vst v63  }
0x20: {  	_ =	swait.ge [sflag:s3], $0x10000  }
0x21: {  	s15 =	sadd.s32 $0xFFFFFFFF, s31;
	[sflag:s3] =	ssyncset.done $0x0  }
.LBB2_1:
0x22: {  	p0 =	sne.s32 s15, $0x1;
	s15 =	sadd.s32 $0xFFFFFFFF, s15;
	[sflag:s3] =	ssyncadd.s32 $0xFFFF0000  }
0x23: {  	[tilespmem:s2], [sflag:$0x2] =	stream.linear.gather [hbm4b:s4+s2], $0x200, $0x38;
	[tilespmem:$0x10200] =	vst v63  }
0x24: {  	_ =	swait.ge [sflag:s3], $0x200  }
0x25: {  	[sflag:s3] =	ssyncset.done $0x0  }
0x26: {  	[sflag:s3] =	ssyncadd.s32 $0xFFFFFE00  }
0x27: {  	[tilespmem:s7], [sflag:$0x1] =	stream.indirect.gather [hbm4b:s5+s6], $0x80, s2, s6, $0xb8;
	[tilespmem:$0x10200] =	vst v63  }
0x28: {  	_ = 	snop  }
0x29: {  	[tilespmem:s8], [sflag:$0x1] =	stream.indirect.gather [hbm4b:s5+s6], $0x80, s6, s6, $0xb8;
	[tilespmem:$0x10200] =	vst v63  }
0x2a: {  	_ = 	snop  }
0x2b: {  	[tilespmem:s10], [sflag:$0x1] =	stream.indirect.gather [hbm4b:s5+s6], $0x80, s9, s6, $0xb8;
	[tilespmem:$0x10200] =	vst v63  }
0x2c: {  	_ = 	snop  }
0x2d: {  	[tilespmem:s12], [sflag:$0x1] =	stream.indirect.gather [hbm4b:s5+s6], $0x80, s11, s6, $0xb8;
	[tilespmem:$0x10200] =	vst v63  }
0x2e: {  	_ =	swait.ge [sflag:s13], $0x4000  }
0x2f: {  	[sflag:s13] =	ssyncset.done $0x0  }
0x30: {  	[sflag:s13] =	ssyncadd.s32 $0xFFFFC000  }
0x31: {  	_ =	swait.ge [sflag:s13], $0x4000  }
0x32: {  	[sflag:s13] =	ssyncset.done $0x0  }
0x33: {  	[sflag:s13] =	ssyncadd.s32 $0xFFFFC000  }
0x34: {  	_ =	swait.ge [sflag:s13], $0x4000  }
0x35: {  	[sflag:s13] =	ssyncset.done $0x0  }
0x36: {  	[sflag:s13] =	ssyncadd.s32 $0xFFFFC000  }
0x37: {  	_ =	swait.ge [sflag:s13], $0x4000  }
.Ltmp1:
0x38: {  	[sflag:s13] =	ssyncset.done $0x0;
	(pc) =	sbr.rel @p0 .LBB2_1-.Ltmp1, $4  }
0x39: {  	[sflag:s13] =	ssyncadd.s32 $0xFFFFC000  }
0x3a: {  	[hbm4b:s14+s2] =	stream.linear.scatter [tilespmem:s7], [sflag:$0x2], $0x10000, $0x38;
	[tilespmem:$0x10200] =	vst v63  }
0x3b: {  	_ =	swait.ge [sflag:s3], $0x10000  }
0x3c: {  	[sflag:s3] =	ssyncset.done $0x0  }
.LBB2_2:
0x3d: {  	[sflag:s3] =	ssyncadd.s32 $0xFFFF0000  }
0x3e: {  	_ =	sfence.sel $0x180000  }
0x3f: {  	[bflag:$0x0] =	sbarrier.arrive $0xFFFF  }
0x40: {  	p0 =	sne.s32 s0, $0x0;
	_ =	strace $0x9000004A  }
0x41: {  	s0 =	sadd.s32 @!p0 $0x100000, s1;
	[bflag:$0x2] =	sbarrier.arrive $0xFFFF  }
0x42: {  	[sflag:s0] =	ssyncadd.tile.s32 @!p0 $0x1;
	_ =	shalt  }
.Lfunc_end2:
_tile_overlayer_lowered:
.L_overlay_start_2:
0x43: {  	(tag) =	ssettag $0x2  }
0x44: {  	s0 =	rddreg [dreg:$0x0];
	s2 =	stileid.u32  }
0x45: {  	s1 =	rddreg [dreg:$0x1];
	p0 =	sne.s32 s2, $0x0  }
0x46: {  	s3 =	rddreg [dreg:$0x2];
	[bflag:$0x3] =	sbarrier.arrive $0xFFFF;
	s2 =	simm.s32 @!p0 $0x1C02  }
0x47: {  	[timem:s3], [sflag:s2] =	dma.local @!p0 [hbm:s0], s1  }
0x48: {  	s0 =	simm.s32 @!p0 $0x2  }
0x49: {  	_ =	swait.ge @!p0 [sflag:s0], s1  }
0x4a: {  	s1 =	ssub.s32 @!p0 $0x0, s1;
	[sflag:s0] =	ssyncset.done @!p0 $0x0  }
0x4b: {  	[sflag:s0] =	ssyncadd.s32 @!p0 s1  }
0x4c: {  	[bflag:$0x3] =	sbarrier.arrive $0xFFFF  }
0x4d: {  	_ =	shalt  }

</sc_bundles>
